<compile_context>
chip_gen: v7x
topology: tpu7x:2x2x1
jax: 0.10.2.dev20260603
libtpu: 0.0.44.dev20260713+nightly
codegen_flags: <defaults>
</compile_context>

<pallas_src>
import functools

import jax
import jax.numpy as jnp
from jax import lax
from jax.experimental import pallas as pl
from jax.experimental.pallas import tpu as pltpu
from jax.experimental.pallas import tpu_sc as plsc

N = 10000
NP = 10240
F = 128
H = 256
E = 320000
NC = 2
NS = 16
CK = 128
CH = 160
CG = 8
NG = CH // CG
EP = NS * CH * CK
DUMP = N
BLK = 1024
GRID = NP // BLK
HC = CH // NC
RPS = NP // NS

_vec_mesh = plsc.VectorSubcoreMesh(core_axis_name="c", subcore_axis_name="s")


@functools.partial(
    pl.kernel,
    out_type=jax.ShapeDtypeStruct((NC * NS, NP), jnp.float32),
    mesh=_vec_mesh,
    scratch_types=[
        pltpu.VMEM((HC, CK), jnp.int32),
        pltpu.VMEM((NP,), jnp.float32),
    ],
    compiler_params=pltpu.CompilerParams(needs_layout_passes=False),
)
def _deg_kernel(dst_hbm, out_hbm, dst_buf, deg):
    c = lax.axis_index("c")
    s = lax.axis_index("s")
    pltpu.sync_copy(dst_hbm.at[c * NS + s], dst_buf)
    zeros = jnp.zeros((16,), jnp.float32)

    @pl.loop(0, NP // 16)
    def _(i):
        deg[pl.ds(i * 16, 16)] = zeros

    ones = jnp.ones((16,), jnp.float32)

    @pl.loop(0, HC)
    def _(r):
        for k in range(CK // 16):
            v = dst_buf[r, pl.ds(k * 16, 16)]
            plsc.addupdate_scatter(deg, [v], ones)

    pltpu.sync_copy(deg, out_hbm.at[c * NS + s])


def _make_agg(dh):

    @functools.partial(
        pl.kernel,
        out_type=jax.ShapeDtypeStruct((NC * NP, dh), jnp.float32),
        mesh=_vec_mesh,
        scratch_types=[
            pltpu.VMEM_SHARED((NP, dh), jnp.float32),
            pltpu.VMEM((CG, CK), jnp.int32),
            pltpu.VMEM((CG, CK), jnp.int32),
            pltpu.VMEM((CK, dh), jnp.float32),
            pltpu.SemaphoreType.DMA,
        ],
        compiler_params=pltpu.CompilerParams(
            needs_layout_passes=False, use_tc_tiling_on_sc=False
        ),
    )
    def agg(g_hbm, src_hbm, dst_hbm, out_hbm, accum, src_buf, dst_buf, rows, sem):
        c = lax.axis_index("c")
        s = lax.axis_index("s")
        base = c * NP + s * RPS
        pltpu.sync_copy(g_hbm.at[pl.ds(base, RPS)], accum.at[pl.ds(s * RPS, RPS)])
        plsc.subcore_barrier()

        @pl.loop(0, NG)
        def _(g):
            pltpu.sync_copy(src_hbm.at[c, s, pl.ds(g * CG, CG)], src_buf)
            pltpu.sync_copy(dst_hbm.at[s, pl.ds(g * CG, CG)], dst_buf)

            @pl.loop(0, CG)
            def _(j):
                pltpu.async_copy(g_hbm.at[src_buf.at[j]], rows, sem).wait()
                pltpu.sync_copy(rows, accum.at[dst_buf.at[j]], add=True)

        plsc.subcore_barrier()
        pltpu.sync_copy(accum.at[pl.ds(s * RPS, RPS)], out_hbm.at[pl.ds(base, RPS)])

    return agg


_agg_f = _make_agg(F)
_agg_h = _make_agg(F // 2)


def _dinv_block(degp_blk):
    return lax.rsqrt(jnp.sum(degp_blk, axis=0) + 1.0)


def _b1_body(x_ref, w1_ref, degp_ref, g1_ref):
    dinv = _dinv_block(degp_ref[...])
    h = jnp.dot(x_ref[...], w1_ref[...], preferred_element_type=jnp.float32)
    hs = h * dinv[:, None]
    g1_ref[0] = hs[:, :F]
    g1_ref[1] = hs[:, F:]


def _b2_body(a_ref, w3_ref, b1_ref, degp_ref, g2_ref):
    dinv = _dinv_block(degp_ref[...])
    acat = jnp.concatenate([a_ref[0], a_ref[1]], axis=1)
    out1 = acat * dinv[:, None] + b1_ref[...][None, :]
    h2 = jnp.dot(out1, w3_ref[...], preferred_element_type=jnp.float32)
    hs = h2 * dinv[:, None]
    g2_ref[0] = hs[:, : F // 2]
    g2_ref[1] = hs[:, F // 2 :]


def _b3_body(a_ref, b3_ref, degp_ref, out_ref):
    dinv = _dinv_block(degp_ref[...])
    acat = jnp.concatenate([a_ref[0], a_ref[1]], axis=1)
    out_ref[...] = jax.nn.sigmoid(acat * dinv[:, None] + b3_ref[...][None, :])


_b1 = pl.pallas_call(
    _b1_body,
    grid=(GRID,),
    in_specs=[
        pl.BlockSpec((BLK, F), lambda i: (i, 0)),
        pl.BlockSpec((F, H), lambda i: (0, 0)),
        pl.BlockSpec((NC * NS, BLK), lambda i: (0, i)),
    ],
    out_specs=pl.BlockSpec((2, BLK, F), lambda i: (0, i, 0)),
    out_shape=jax.ShapeDtypeStruct((2, NP, F), jnp.float32),
)

_b2 = pl.pallas_call(
    _b2_body,
    grid=(GRID,),
    in_specs=[
        pl.BlockSpec((2, BLK, F), lambda i: (0, i, 0)),
        pl.BlockSpec((H, F), lambda i: (0, 0)),
        pl.BlockSpec((H,), lambda i: (0,)),
        pl.BlockSpec((NC * NS, BLK), lambda i: (0, i)),
    ],
    out_specs=pl.BlockSpec((2, BLK, F // 2), lambda i: (0, i, 0)),
    out_shape=jax.ShapeDtypeStruct((2, NP, F // 2), jnp.float32),
)

_b3 = pl.pallas_call(
    _b3_body,
    grid=(GRID,),
    in_specs=[
        pl.BlockSpec((2, BLK, F // 2), lambda i: (0, i, 0)),
        pl.BlockSpec((F,), lambda i: (0,)),
        pl.BlockSpec((NC * NS, BLK), lambda i: (0, i)),
    ],
    out_specs=pl.BlockSpec((BLK, F), lambda i: (i, 0)),
    out_shape=jax.ShapeDtypeStruct((NP, F), jnp.float32),
)


def kernel(x, edge_index, W1, b1, W3, b3):
    ei = edge_index.astype(jnp.int32)
    src = jnp.concatenate([ei[0], jnp.zeros((EP - E,), jnp.int32)])
    dst = jnp.concatenate([ei[1], jnp.full((EP - E,), DUMP, jnp.int32)])
    src3 = src.reshape(NS, CH, CK)
    src4 = jnp.stack([src3, src3 + NP])
    dst3 = dst.reshape(NS, CH, CK)
    dst_deg = dst.reshape(NC * NS, HC, CK)
    xp = jnp.pad(x, ((0, NP - N), (0, 0)))

    degp = _deg_kernel(dst_deg)
    g1 = _b1(xp, W1, degp)
    a1 = _agg_f(g1.reshape(NC * NP, F), src4, dst3)
    g2 = _b2(a1.reshape(2, NP, F), W3, b1, degp)
    a2 = _agg_h(g2.reshape(NC * NP, F // 2), src4, dst3)
    out = _b3(a2.reshape(2, NP, F // 2), b3, degp)
    return out[:N]

# --- scband reference (transcript-rebuilt; emitter-appended) ---
"""Pipeline reference for scband-gcn-63857573757151 (READ-ONLY COPY).

The authoritative reference and input builder live on the scoring server;
editing this copy changes nothing except your own understanding.
"""

import jax, jax.numpy as jnp
import numpy as np

NUM_NODES = 10000
NUM_FEATURES = 128
NHID = 256
NUM_EDGES = 320000


def gcn_conv(x, edge_index, W, b, num_nodes):
    # PyG GCNConv with default add_self_loops=True, normalize=True, bias=True
    src = edge_index[0]
    dst = edge_index[1]
    loop = jnp.arange(num_nodes, dtype=edge_index.dtype)
    src = jnp.concatenate([src, loop])
    dst = jnp.concatenate([dst, loop])
    # degree computed on destination (col) with unit edge weights
    deg = jnp.zeros((num_nodes,), dtype=x.dtype).at[dst].add(1.0)
    deg_inv_sqrt = jnp.where(deg > 0, deg ** -0.5, 0.0)
    norm = deg_inv_sqrt[src] * deg_inv_sqrt[dst]
    h = x @ W  # linear transform first
    msg = h[src] * norm[:, None]  # gather + scale
    out = jnp.zeros((num_nodes, W.shape[1]), dtype=x.dtype).at[dst].add(msg)  # scatter-add
    return out + b


def setup_inputs(seed: int = 0) -> dict:
    key = jax.random.key(seed)
    k1, k2, k3, k4, k5, k6 = jax.random.split(key, 6)
    x = jax.random.normal(k1, (NUM_NODES, NUM_FEATURES), dtype=jnp.float32)
    edge_index = jax.random.randint(k2, (2, NUM_EDGES), 0, NUM_NODES, dtype=jnp.int64)
    # GCNConv params: glorot-style init
    s1 = (6.0 / (NUM_FEATURES + NHID)) ** 0.5
    W1 = jax.random.uniform(k3, (NUM_FEATURES, NHID), minval=-s1, maxval=s1, dtype=jnp.float32)
    b1 = jnp.zeros((NHID,), dtype=jnp.float32)
    s3 = (6.0 / (NHID + NUM_FEATURES)) ** 0.5
    W3 = jax.random.uniform(k4, (NHID, NUM_FEATURES), minval=-s3, maxval=s3, dtype=jnp.float32)
    b3 = jnp.zeros((NUM_FEATURES,), dtype=jnp.float32)
    return {"x": x, "edge_index": edge_index, "W1": W1, "b1": b1, "W3": W3, "b3": b3}


def reference(x, edge_index, W1, b1, W3, b3):
    num_nodes = x.shape[0]
    h = gcn_conv(x, edge_index, W1, b1, num_nodes)
    # F.dropout with training=False (eval mode) is identity
    out = gcn_conv(h, edge_index, W3, b3, num_nodes)
    return jax.nn.sigmoid(out)

if __name__ == "__main__":
    import jax
    _d = setup_inputs()
    print(jax.jit(kernel)(*tuple(_d.values())))

</pallas_src>

<mosaic_0001>
#map = affine_map<(d0, d1) -> (0, 0, 0)>
#map1 = affine_map<(d0, d1) -> (0, 0)>
module attributes {stable_mosaic.version = 14 : i64} {
  func.func @_deg_kernel(%arg0: i32, %arg1: i32, %arg2: memref<32x80x128xi32, #tpu.memory_space<hbm>>, %arg3: memref<32x10240xf32, #tpu.memory_space<hbm>>, %arg4: memref<80x128xi32, #tpu.memory_space<vmem>>, %arg5: memref<10240xf32, #tpu.memory_space<vmem>>) attributes {dimension_semantics = [#tpu.dimension_semantics<core_parallel>, #tpu.dimension_semantics<subcore_parallel>], iteration_bounds = array<i64: 2, 16>, scalar_prefetch = 0 : i64, scratch_operands = 2 : i64, tpu.core_type = #tpu.core_type<sc_vector_subcore>, window_params = [{transform_indices = #map}, {transform_indices = #map1}]} {
    %mul3A = arith.constant 16 : i32
    %mul3A_0 = arith.muli %arg0, %mul3A : i32
    %add3A = arith.addi %mul3A_0, %arg1 : i32
    "tpu.region"() ({
      %run_scoped3A = tpu.sem_alloc : memref<!tpu.dma_semaphore, #tpu.memory_space<semaphore_mem>>
      %dma_start3A = arith.constant 0 : i32
      %dma_start3A_16 = arith.constant 0 : i32
      %dma_start3A_17 = tpu.memref_slice %arg2[%add3A, %dma_start3A, %dma_start3A_16] : memref<32x80x128xi32, #tpu.memory_space<hbm>> -> memref<1x80x128xi32, #tpu.memory_space<hbm>>
      %dma_start3A_18 = tpu.memref_squeeze %dma_start3A_17 : memref<1x80x128xi32, #tpu.memory_space<hbm>> -> memref<80x128xi32, #tpu.memory_space<hbm>>
      %dma_start3A_19 = arith.constant 0 : i32
      %dma_start3A_20 = arith.constant 0 : i32
      %dma_start3A_21 = tpu.memref_slice %arg2[%add3A, %dma_start3A_19, %dma_start3A_20] : memref<32x80x128xi32, #tpu.memory_space<hbm>> -> memref<1x80x128xi32, #tpu.memory_space<hbm>>
      %dma_start3A_22 = tpu.memref_squeeze %dma_start3A_21 : memref<1x80x128xi32, #tpu.memory_space<hbm>> -> memref<80x128xi32, #tpu.memory_space<hbm>>
      tpu.enqueue_dma source(%dma_start3A_22 : memref<80x128xi32, #tpu.memory_space<hbm>>) target(%arg4 : memref<80x128xi32, #tpu.memory_space<vmem>>) target_semaphore(%run_scoped3A : memref<!tpu.dma_semaphore, #tpu.memory_space<semaphore_mem>>)
      %dma_wait3A = arith.constant 0 : i32
      %dma_wait3A_23 = arith.constant 0 : i32
      %dma_wait3A_24 = tpu.memref_slice %arg2[%add3A, %dma_wait3A, %dma_wait3A_23] : memref<32x80x128xi32, #tpu.memory_space<hbm>> -> memref<1x80x128xi32, #tpu.memory_space<hbm>>
      %dma_wait3A_25 = tpu.memref_squeeze %dma_wait3A_24 : memref<1x80x128xi32, #tpu.memory_space<hbm>> -> memref<80x128xi32, #tpu.memory_space<hbm>>
      %dma_wait3A_26 = arith.constant 0 : i32
      %dma_wait3A_27 = arith.constant 0 : i32
      %dma_wait3A_28 = tpu.memref_slice %arg2[%add3A, %dma_wait3A_26, %dma_wait3A_27] : memref<32x80x128xi32, #tpu.memory_space<hbm>> -> memref<1x80x128xi32, #tpu.memory_space<hbm>>
      %dma_wait3A_29 = tpu.memref_squeeze %dma_wait3A_28 : memref<1x80x128xi32, #tpu.memory_space<hbm>> -> memref<80x128xi32, #tpu.memory_space<hbm>>
      tpu.wait_dma2 semaphore(%run_scoped3A : memref<!tpu.dma_semaphore, #tpu.memory_space<semaphore_mem>>) src(%dma_wait3A_29 : memref<80x128xi32, #tpu.memory_space<hbm>>) dst(%arg4 : memref<80x128xi32, #tpu.memory_space<vmem>>)
      tpu.yield
    }) : () -> ()
    %broadcast_in_dim3A = arith.constant 0.000000e+00 : f32
    %broadcast_in_dim3A_1 = vector.broadcast %broadcast_in_dim3A : f32 to vector<16xf32>
    %scan3A = arith.constant 0 : i32
    %scan3A_2 = arith.constant 640 : i32
    %scan3A_3 = arith.addi %scan3A, %scan3A_2 : i32
    %scan3A_4 = arith.constant 1 : i32
    scf.for %scan3A_16 = %scan3A to %scan3A_3 step %scan3A_4  : i32 {
      %mul3A_17 = arith.constant 1 : i32
      %mul3A_18 = arith.muli %scan3A_16, %mul3A_17 : i32
      %add3A_19 = arith.constant 0 : i32
      %add3A_20 = arith.addi %add3A_19, %mul3A_18 : i32
      %mul3A_21 = arith.constant 16 : i32
      %mul3A_22 = arith.muli %add3A_20, %mul3A_21 : i32
      %swap3A = arith.index_cast %mul3A_22 : i32 to index
      %swap3A_23 = tpu.vector_load %arg5[%swap3A] {strides = array<i32>} : memref<10240xf32, #tpu.memory_space<vmem>>, vector<16xf32>,
      tpu.vector_store %arg5[%swap3A], %broadcast_in_dim3A_1 {strides = array<i32>} : memref<10240xf32, #tpu.memory_space<vmem>>, vector<16xf32>,
    }
    %scan3A_5 = arith.constant 640 : i32
    %broadcast_in_dim3A_6 = arith.constant 1.000000e+00 : f32
    %broadcast_in_dim3A_7 = vector.broadcast %broadcast_in_dim3A_6 : f32 to vector<16xf32>
    %scan3A_8 = arith.constant 0 : i32
    %scan3A_9 = arith.constant 80 : i32
    %scan3A_10 = arith.addi %scan3A_8, %scan3A_9 : i32
    %scan3A_11 = arith.constant 1 : i32
    scf.for %scan3A_16 = %scan3A_8 to %scan3A_10 step %scan3A_11  : i32 {
      %mul3A_17 = arith.constant 1 : i32
      %mul3A_18 = arith.muli %scan3A_16, %mul3A_17 : i32
      %add3A_19 = arith.constant 0 : i32
      %add3A_20 = arith.addi %add3A_19, %mul3A_18 : i32
      %get3A = arith.index_cast %add3A_20 : i32 to index
      %get3A_21 = arith.constant 0 : index
      %get3A_22 = tpu.vector_load %arg4[%get3A, %get3A_21] {strides = array<i32>} : memref<80x128xi32, #tpu.memory_space<vmem>>, vector<16xi32>,
      tpu.vector_store_idx %arg5[%get3A_22], %broadcast_in_dim3A_7 {add = true} : memref<10240xf32, #tpu.memory_space<vmem>>[vector<16xi32>], vector<16xf32>,
      %get3A_23 = arith.index_cast %add3A_20 : i32 to index
      %get3A_24 = arith.constant 16 : index
      %get3A_25 = tpu.vector_load %arg4[%get3A_23, %get3A_24] {strides = array<i32>} : memref<80x128xi32, #tpu.memory_space<vmem>>, vector<16xi32>,
      tpu.vector_store_idx %arg5[%get3A_25], %broadcast_in_dim3A_7 {add = true} : memref<10240xf32, #tpu.memory_space<vmem>>[vector<16xi32>], vector<16xf32>,
      %get3A_26 = arith.index_cast %add3A_20 : i32 to index
      %get3A_27 = arith.constant 32 : index
      %get3A_28 = tpu.vector_load %arg4[%get3A_26, %get3A_27] {strides = array<i32>} : memref<80x128xi32, #tpu.memory_space<vmem>>, vector<16xi32>,
      tpu.vector_store_idx %arg5[%get3A_28], %broadcast_in_dim3A_7 {add = true} : memref<10240xf32, #tpu.memory_space<vmem>>[vector<16xi32>], vector<16xf32>,
      %get3A_29 = arith.index_cast %add3A_20 : i32 to index
      %get3A_30 = arith.constant 48 : index
      %get3A_31 = tpu.vector_load %arg4[%get3A_29, %get3A_30] {strides = array<i32>} : memref<80x128xi32, #tpu.memory_space<vmem>>, vector<16xi32>,
      tpu.vector_store_idx %arg5[%get3A_31], %broadcast_in_dim3A_7 {add = true} : memref<10240xf32, #tpu.memory_space<vmem>>[vector<16xi32>], vector<16xf32>,
      %get3A_32 = arith.index_cast %add3A_20 : i32 to index
      %get3A_33 = arith.constant 64 : index
      %get3A_34 = tpu.vector_load %arg4[%get3A_32, %get3A_33] {strides = array<i32>} : memref<80x128xi32, #tpu.memory_space<vmem>>, vector<16xi32>,
      tpu.vector_store_idx %arg5[%get3A_34], %broadcast_in_dim3A_7 {add = true} : memref<10240xf32, #tpu.memory_space<vmem>>[vector<16xi32>], vector<16xf32>,
      %get3A_35 = arith.index_cast %add3A_20 : i32 to index
      %get3A_36 = arith.constant 80 : index
      %get3A_37 = tpu.vector_load %arg4[%get3A_35, %get3A_36] {strides = array<i32>} : memref<80x128xi32, #tpu.memory_space<vmem>>, vector<16xi32>,
      tpu.vector_store_idx %arg5[%get3A_37], %broadcast_in_dim3A_7 {add = true} : memref<10240xf32, #tpu.memory_space<vmem>>[vector<16xi32>], vector<16xf32>,
      %get3A_38 = arith.index_cast %add3A_20 : i32 to index
      %get3A_39 = arith.constant 96 : index
      %get3A_40 = tpu.vector_load %arg4[%get3A_38, %get3A_39] {strides = array<i32>} : memref<80x128xi32, #tpu.memory_space<vmem>>, vector<16xi32>,
      tpu.vector_store_idx %arg5[%get3A_40], %broadcast_in_dim3A_7 {add = true} : memref<10240xf32, #tpu.memory_space<vmem>>[vector<16xi32>], vector<16xf32>,
      %get3A_41 = arith.index_cast %add3A_20 : i32 to index
      %get3A_42 = arith.constant 112 : index
      %get3A_43 = tpu.vector_load %arg4[%get3A_41, %get3A_42] {strides = array<i32>} : memref<80x128xi32, #tpu.memory_space<vmem>>, vector<16xi32>,
      tpu.vector_store_idx %arg5[%get3A_43], %broadcast_in_dim3A_7 {add = true} : memref<10240xf32, #tpu.memory_space<vmem>>[vector<16xi32>], vector<16xf32>,
    }
    %scan3A_12 = arith.constant 80 : i32
    %mul3A_13 = arith.constant 16 : i32
    %mul3A_14 = arith.muli %arg0, %mul3A_13 : i32
    %add3A_15 = arith.addi %mul3A_14, %arg1 : i32
    "tpu.region"() ({
      %run_scoped3A = tpu.sem_alloc : memref<!tpu.dma_semaphore, #tpu.memory_space<semaphore_mem>>
      %dma_start3A = arith.constant 0 : i32
      %dma_start3A_16 = tpu.memref_slice %arg3[%add3A_15, %dma_start3A] : memref<32x10240xf32, #tpu.memory_space<hbm>> -> memref<1x10240xf32, #tpu.memory_space<hbm>>
      %dma_start3A_17 = tpu.memref_squeeze %dma_start3A_16 : memref<1x10240xf32, #tpu.memory_space<hbm>> -> memref<10240xf32, #tpu.memory_space<hbm>>
      %dma_start3A_18 = arith.constant 0 : i32
      %dma_start3A_19 = tpu.memref_slice %arg3[%add3A_15, %dma_start3A_18] : memref<32x10240xf32, #tpu.memory_space<hbm>> -> memref<1x10240xf32, #tpu.memory_space<hbm>>
      %dma_start3A_20 = tpu.memref_squeeze %dma_start3A_19 : memref<1x10240xf32, #tpu.memory_space<hbm>> -> memref<10240xf32, #tpu.memory_space<hbm>>
      tpu.enqueue_dma source(%arg5 : memref<10240xf32, #tpu.memory_space<vmem>>) target(%dma_start3A_20 : memref<10240xf32, #tpu.memory_space<hbm>>) target_semaphore(%run_scoped3A : memref<!tpu.dma_semaphore, #tpu.memory_space<semaphore_mem>>)
      %dma_wait3A = arith.constant 0 : i32
      %dma_wait3A_21 = tpu.memref_slice %arg3[%add3A_15, %dma_wait3A] : memref<32x10240xf32, #tpu.memory_space<hbm>> -> memref<1x10240xf32, #tpu.memory_space<hbm>>
      %dma_wait3A_22 = tpu.memref_squeeze %dma_wait3A_21 : memref<1x10240xf32, #tpu.memory_space<hbm>> -> memref<10240xf32, #tpu.memory_space<hbm>>
      %dma_wait3A_23 = arith.constant 0 : i32
      %dma_wait3A_24 = tpu.memref_slice %arg3[%add3A_15, %dma_wait3A_23] : memref<32x10240xf32, #tpu.memory_space<hbm>> -> memref<1x10240xf32, #tpu.memory_space<hbm>>
      %dma_wait3A_25 = tpu.memref_squeeze %dma_wait3A_24 : memref<1x10240xf32, #tpu.memory_space<hbm>> -> memref<10240xf32, #tpu.memory_space<hbm>>
      tpu.wait_dma2 semaphore(%run_scoped3A : memref<!tpu.dma_semaphore, #tpu.memory_space<semaphore_mem>>) src(%arg5 : memref<10240xf32, #tpu.memory_space<vmem>>) dst(%dma_wait3A_25 : memref<10240xf32, #tpu.memory_space<hbm>>)
      tpu.yield
    }) : () -> ()
    return
  }
}

#map = affine_map<(d0, d1) -> (0, 0)>
#map1 = affine_map<(d0, d1) -> (0, 0, 0, 0)>
#map2 = affine_map<(d0, d1) -> (0, 0, 0)>
module attributes {stable_mosaic.version = 14 : i64} {
  func.func @agg(%arg0: i32, %arg1: i32, %arg2: memref<20480x64xf32, #tpu.memory_space<hbm>>, %arg3: memref<2x16x160x128xi32, #tpu.memory_space<hbm>>, %arg4: memref<16x160x128xi32, #tpu.memory_space<hbm>>, %arg5: memref<20480x64xf32, #tpu.memory_space<hbm>>, %arg6: memref<10240x64xf32, #tpu.memory_space<vmem_shared>>, %arg7: memref<8x128xi32, #tpu.memory_space<vmem>>, %arg8: memref<8x128xi32, #tpu.memory_space<vmem>>, %arg9: memref<128x64xf32, #tpu.memory_space<vmem>>, %arg10: memref<!tpu.dma_semaphore, #tpu.memory_space<semaphore_mem>>) attributes {dimension_semantics = [#tpu.dimension_semantics<core_parallel>, #tpu.dimension_semantics<subcore_parallel>], iteration_bounds = array<i64: 2, 16>, scalar_prefetch = 0 : i64, scratch_operands = 5 : i64, tpu.core_type = #tpu.core_type<sc_vector_subcore>, window_params = [{transform_indices = #map}, {transform_indices = #map1}, {transform_indices = #map2}, {transform_indices = #map}]} {
    %mul3A = arith.constant 10240 : i32
    %mul3A_0 = arith.muli %arg0, %mul3A : i32
    %mul3A_1 = arith.constant 640 : i32
    %mul3A_2 = arith.muli %arg1, %mul3A_1 : i32
    %add3A = arith.addi %mul3A_0, %mul3A_2 : i32
    %mul3A_3 = arith.constant 640 : i32
    %mul3A_4 = arith.muli %arg1, %mul3A_3 : i32
    "tpu.region"() ({
      %run_scoped3A = tpu.sem_alloc : memref<!tpu.dma_semaphore, #tpu.memory_space<semaphore_mem>>
      %dma_start3A = arith.constant 0 : i32
      %dma_start3A_12 = tpu.memref_slice %arg6[%mul3A_4, %dma_start3A] : memref<10240x64xf32, #tpu.memory_space<vmem_shared>> -> memref<640x64xf32, #tpu.memory_space<vmem_shared>>
      %dma_start3A_13 = arith.constant 0 : i32
      %dma_start3A_14 = tpu.memref_slice %arg2[%add3A, %dma_start3A_13] : memref<20480x64xf32, #tpu.memory_space<hbm>> -> memref<640x64xf32, #tpu.memory_space<hbm>>
      tpu.enqueue_dma source(%dma_start3A_14 : memref<640x64xf32, #tpu.memory_space<hbm>>) target(%dma_start3A_12 : memref<640x64xf32, #tpu.memory_space<vmem_shared>>) target_semaphore(%run_scoped3A : memref<!tpu.dma_semaphore, #tpu.memory_space<semaphore_mem>>)
      %dma_wait3A = arith.constant 0 : i32
      %dma_wait3A_15 = tpu.memref_slice %arg6[%mul3A_4, %dma_wait3A] : memref<10240x64xf32, #tpu.memory_space<vmem_shared>> -> memref<640x64xf32, #tpu.memory_space<vmem_shared>>
      %dma_wait3A_16 = arith.constant 0 : i32
      %dma_wait3A_17 = tpu.memref_slice %arg2[%add3A, %dma_wait3A_16] : memref<20480x64xf32, #tpu.memory_space<hbm>> -> memref<640x64xf32, #tpu.memory_space<hbm>>
      tpu.wait_dma2 semaphore(%run_scoped3A : memref<!tpu.dma_semaphore, #tpu.memory_space<semaphore_mem>>) src(%dma_wait3A_17 : memref<640x64xf32, #tpu.memory_space<hbm>>) dst(%dma_wait3A_15 : memref<640x64xf32, #tpu.memory_space<vmem_shared>>)
      tpu.yield
    }) : () -> ()
    %barrier3A = arith.constant 0 : index
    tpu.barrier barrier_id(%barrier3A)
    %scan3A = arith.constant 0 : i32
    %scan3A_5 = arith.constant 20 : i32
    %scan3A_6 = arith.addi %scan3A, %scan3A_5 : i32
    %scan3A_7 = arith.constant 1 : i32
    scf.for %scan3A_12 = %scan3A to %scan3A_6 step %scan3A_7  : i32 {
      %mul3A_13 = arith.constant 1 : i32
      %mul3A_14 = arith.muli %scan3A_12, %mul3A_13 : i32
      %add3A_15 = arith.constant 0 : i32
      %add3A_16 = arith.addi %add3A_15, %mul3A_14 : i32
      %mul3A_17 = arith.constant 8 : i32
      %mul3A_18 = arith.muli %add3A_16, %mul3A_17 : i32
      "tpu.region"() ({
        %run_scoped3A = tpu.sem_alloc : memref<!tpu.dma_semaphore, #tpu.memory_space<semaphore_mem>>
        %dma_start3A = arith.constant 0 : i32
        %dma_start3A_26 = tpu.memref_slice %arg3[%arg0, %arg1, %mul3A_18, %dma_start3A] : memref<2x16x160x128xi32, #tpu.memory_space<hbm>> -> memref<1x1x8x128xi32, #tpu.memory_space<hbm>>
        %dma_start3A_27 = tpu.memref_squeeze %dma_start3A_26 : memref<1x1x8x128xi32, #tpu.memory_space<hbm>> -> memref<8x128xi32, #tpu.memory_space<hbm>>
        %dma_start3A_28 = arith.constant 0 : i32
        %dma_start3A_29 = tpu.memref_slice %arg3[%arg0, %arg1, %mul3A_18, %dma_start3A_28] : memref<2x16x160x128xi32, #tpu.memory_space<hbm>> -> memref<1x1x8x128xi32, #tpu.memory_space<hbm>>
        %dma_start3A_30 = tpu.memref_squeeze %dma_start3A_29 : memref<1x1x8x128xi32, #tpu.memory_space<hbm>> -> memref<8x128xi32, #tpu.memory_space<hbm>>
        tpu.enqueue_dma source(%dma_start3A_30 : memref<8x128xi32, #tpu.memory_space<hbm>>) target(%arg7 : memref<8x128xi32, #tpu.memory_space<vmem>>) target_semaphore(%run_scoped3A : memref<!tpu.dma_semaphore, #tpu.memory_space<semaphore_mem>>)
        %dma_wait3A = arith.constant 0 : i32
        %dma_wait3A_31 = tpu.memref_slice %arg3[%arg0, %arg1, %mul3A_18, %dma_wait3A] : memref<2x16x160x128xi32, #tpu.memory_space<hbm>> -> memref<1x1x8x128xi32, #tpu.memory_space<hbm>>
        %dma_wait3A_32 = tpu.memref_squeeze %dma_wait3A_31 : memref<1x1x8x128xi32, #tpu.memory_space<hbm>> -> memref<8x128xi32, #tpu.memory_space<hbm>>
        %dma_wait3A_33 = arith.constant 0 : i32
        %dma_wait3A_34 = tpu.memref_slice %arg3[%arg0, %arg1, %mul3A_18, %dma_wait3A_33] : memref<2x16x160x128xi32, #tpu.memory_space<hbm>> -> memref<1x1x8x128xi32, #tpu.memory_space<hbm>>
        %dma_wait3A_35 = tpu.memref_squeeze %dma_wait3A_34 : memref<1x1x8x128xi32, #tpu.memory_space<hbm>> -> memref<8x128xi32, #tpu.memory_space<hbm>>
        tpu.wait_dma2 semaphore(%run_scoped3A : memref<!tpu.dma_semaphore, #tpu.memory_space<semaphore_mem>>) src(%dma_wait3A_35 : memref<8x128xi32, #tpu.memory_space<hbm>>) dst(%arg7 : memref<8x128xi32, #tpu.memory_space<vmem>>)
        tpu.yield
      }) : () -> ()
      %mul3A_19 = arith.constant 8 : i32
      %mul3A_20 = arith.muli %add3A_16, %mul3A_19 : i32
      "tpu.region"() ({
        %run_scoped3A = tpu.sem_alloc : memref<!tpu.dma_semaphore, #tpu.memory_space<semaphore_mem>>
        %dma_start3A = arith.constant 0 : i32
        %dma_start3A_26 = tpu.memref_slice %arg4[%arg1, %mul3A_20, %dma_start3A] : memref<16x160x128xi32, #tpu.memory_space<hbm>> -> memref<1x8x128xi32, #tpu.memory_space<hbm>>
        %dma_start3A_27 = tpu.memref_squeeze %dma_start3A_26 : memref<1x8x128xi32, #tpu.memory_space<hbm>> -> memref<8x128xi32, #tpu.memory_space<hbm>>
        %dma_start3A_28 = arith.constant 0 : i32
        %dma_start3A_29 = tpu.memref_slice %arg4[%arg1, %mul3A_20, %dma_start3A_28] : memref<16x160x128xi32, #tpu.memory_space<hbm>> -> memref<1x8x128xi32, #tpu.memory_space<hbm>>
        %dma_start3A_30 = tpu.memref_squeeze %dma_start3A_29 : memref<1x8x128xi32, #tpu.memory_space<hbm>> -> memref<8x128xi32, #tpu.memory_space<hbm>>
        tpu.enqueue_dma source(%dma_start3A_30 : memref<8x128xi32, #tpu.memory_space<hbm>>) target(%arg8 : memref<8x128xi32, #tpu.memory_space<vmem>>) target_semaphore(%run_scoped3A : memref<!tpu.dma_semaphore, #tpu.memory_space<semaphore_mem>>)
        %dma_wait3A = arith.constant 0 : i32
        %dma_wait3A_31 = tpu.memref_slice %arg4[%arg1, %mul3A_20, %dma_wait3A] : memref<16x160x128xi32, #tpu.memory_space<hbm>> -> memref<1x8x128xi32, #tpu.memory_space<hbm>>
        %dma_wait3A_32 = tpu.memref_squeeze %dma_wait3A_31 : memref<1x8x128xi32, #tpu.memory_space<hbm>> -> memref<8x128xi32, #tpu.memory_space<hbm>>
        %dma_wait3A_33 = arith.constant 0 : i32
        %dma_wait3A_34 = tpu.memref_slice %arg4[%arg1, %mul3A_20, %dma_wait3A_33] : memref<16x160x128xi32, #tpu.memory_space<hbm>> -> memref<1x8x128xi32, #tpu.memory_space<hbm>>
        %dma_wait3A_35 = tpu.memref_squeeze %dma_wait3A_34 : memref<1x8x128xi32, #tpu.memory_space<hbm>> -> memref<8x128xi32, #tpu.memory_space<hbm>>
        tpu.wait_dma2 semaphore(%run_scoped3A : memref<!tpu.dma_semaphore, #tpu.memory_space<semaphore_mem>>) src(%dma_wait3A_35 : memref<8x128xi32, #tpu.memory_space<hbm>>) dst(%arg8 : memref<8x128xi32, #tpu.memory_space<vmem>>)
        tpu.yield
      }) : () -> ()
      %scan3A_21 = arith.constant 0 : i32
      %scan3A_22 = arith.constant 8 : i32
      %scan3A_23 = arith.addi %scan3A_21, %scan3A_22 : i32
      %scan3A_24 = arith.constant 1 : i32
      scf.for %scan3A_26 = %scan3A_21 to %scan3A_23 step %scan3A_24  : i32 {
        %mul3A_27 = arith.constant 1 : i32
        %mul3A_28 = arith.muli %scan3A_26, %mul3A_27 : i32
        %add3A_29 = arith.constant 0 : i32
        %add3A_30 = arith.addi %add3A_29, %mul3A_28 : i32
        %dma_start3A = arith.constant 0 : i32
        %dma_start3A_31 = tpu.memref_slice %arg7[%add3A_30, %dma_start3A] : memref<8x128xi32, #tpu.memory_space<vmem>> -> memref<1x128xi32, #tpu.memory_space<vmem>>
        %dma_start3A_32 = tpu.memref_squeeze %dma_start3A_31 : memref<1x128xi32, #tpu.memory_space<vmem>> -> memref<128xi32, #tpu.memory_space<vmem>>
        %dma_start3A_33 = arith.constant 0 : i32
        %dma_start3A_34 = arith.constant 0 : i32
        %dma_start3A_35 = tpu.memref_slice %arg2[%dma_start3A_33, %dma_start3A_34] : memref<20480x64xf32, #tpu.memory_space<hbm>> -> memref<20480x64xf32, #tpu.memory_space<hbm>>
        tpu.enqueue_indirect_dma source(%dma_start3A_35 : memref<20480x64xf32, #tpu.memory_space<hbm>>) target(%arg9 : memref<128x64xf32, #tpu.memory_space<vmem>>) offsets(%dma_start3A_32 : memref<128xi32, #tpu.memory_space<vmem>>) semaphore(%arg10 : memref<!tpu.dma_semaphore, #tpu.memory_space<semaphore_mem>>)
        %dma_wait3A = arith.constant 0 : i32
        %dma_wait3A_36 = tpu.memref_slice %arg7[%add3A_30, %dma_wait3A] : memref<8x128xi32, #tpu.memory_space<vmem>> -> memref<1x128xi32, #tpu.memory_space<vmem>>
        %dma_wait3A_37 = tpu.memref_squeeze %dma_wait3A_36 : memref<1x128xi32, #tpu.memory_space<vmem>> -> memref<128xi32, #tpu.memory_space<vmem>>
        %dma_wait3A_38 = arith.constant 0 : i32
        %dma_wait3A_39 = arith.constant 0 : i32
        %dma_wait3A_40 = tpu.memref_slice %arg2[%dma_wait3A_38, %dma_wait3A_39] : memref<20480x64xf32, #tpu.memory_space<hbm>> -> memref<20480x64xf32, #tpu.memory_space<hbm>>
        tpu.wait_indirect_dma semaphore(%arg10 : memref<!tpu.dma_semaphore, #tpu.memory_space<semaphore_mem>>) src(%dma_wait3A_40 : memref<20480x64xf32, #tpu.memory_space<hbm>>) dst(%arg9 : memref<128x64xf32, #tpu.memory_space<vmem>>)
        "tpu.region"() ({
          %run_scoped3A = tpu.sem_alloc : memref<!tpu.dma_semaphore, #tpu.memory_space<semaphore_mem>>
          %dma_start3A_41 = arith.constant 0 : i32
          %dma_start3A_42 = tpu.memref_slice %arg8[%add3A_30, %dma_start3A_41] : memref<8x128xi32, #tpu.memory_space<vmem>> -> memref<1x128xi32, #tpu.memory_space<vmem>>
          %dma_start3A_43 = tpu.memref_squeeze %dma_start3A_42 : memref<1x128xi32, #tpu.memory_space<vmem>> -> memref<128xi32, #tpu.memory_space<vmem>>
          %dma_start3A_44 = arith.constant 0 : i32
          %dma_start3A_45 = arith.constant 0 : i32
          %dma_start3A_46 = tpu.memref_slice %arg6[%dma_start3A_44, %dma_start3A_45] : memref<10240x64xf32, #tpu.memory_space<vmem_shared>> -> memref<10240x64xf32, #tpu.memory_space<vmem_shared>>
          tpu.enqueue_indirect_dma source(%arg9 : memref<128x64xf32, #tpu.memory_space<vmem>>) target(%dma_start3A_46 : memref<10240x64xf32, #tpu.memory_space<vmem_shared>>) offsets(%dma_start3A_43 : memref<128xi32, #tpu.memory_space<vmem>>) semaphore(%run_scoped3A : memref<!tpu.dma_semaphore, #tpu.memory_space<semaphore_mem>>) {add = true}
          %dma_wait3A_47 = arith.constant 0 : i32
          %dma_wait3A_48 = tpu.memref_slice %arg8[%add3A_30, %dma_wait3A_47] : memref<8x128xi32, #tpu.memory_space<vmem>> -> memref<1x128xi32, #tpu.memory_space<vmem>>
          %dma_wait3A_49 = tpu.memref_squeeze %dma_wait3A_48 : memref<1x128xi32, #tpu.memory_space<vmem>> -> memref<128xi32, #tpu.memory_space<vmem>>
          %dma_wait3A_50 = arith.constant 0 : i32
          %dma_wait3A_51 = arith.constant 0 : i32
          %dma_wait3A_52 = tpu.memref_slice %arg6[%dma_wait3A_50, %dma_wait3A_51] : memref<10240x64xf32, #tpu.memory_space<vmem_shared>> -> memref<10240x64xf32, #tpu.memory_space<vmem_shared>>
          tpu.wait_indirect_dma semaphore(%run_scoped3A : memref<!tpu.dma_semaphore, #tpu.memory_space<semaphore_mem>>) src(%arg9 : memref<128x64xf32, #tpu.memory_space<vmem>>) dst(%dma_wait3A_52 : memref<10240x64xf32, #tpu.memory_space<vmem_shared>>)
          tpu.yield
        }) : () -> ()
      }
      %scan3A_25 = arith.constant 8 : i32
    }
    %scan3A_8 = arith.constant 20 : i32
    %barrier3A_9 = arith.constant 0 : index
    tpu.barrier barrier_id(%barrier3A_9)
    %mul3A_10 = arith.constant 640 : i32
    %mul3A_11 = arith.muli %arg1, %mul3A_10 : i32
    "tpu.region"() ({
      %run_scoped3A = tpu.sem_alloc : memref<!tpu.dma_semaphore, #tpu.memory_space<semaphore_mem>>
      %dma_start3A = arith.constant 0 : i32
      %dma_start3A_12 = tpu.memref_slice %arg5[%add3A, %dma_start3A] : memref<20480x64xf32, #tpu.memory_space<hbm>> -> memref<640x64xf32, #tpu.memory_space<hbm>>
      %dma_start3A_13 = arith.constant 0 : i32
      %dma_start3A_14 = tpu.memref_slice %arg6[%mul3A_11, %dma_start3A_13] : memref<10240x64xf32, #tpu.memory_space<vmem_shared>> -> memref<640x64xf32, #tpu.memory_space<vmem_shared>>
      tpu.enqueue_dma source(%dma_start3A_14 : memref<640x64xf32, #tpu.memory_space<vmem_shared>>) target(%dma_start3A_12 : memref<640x64xf32, #tpu.memory_space<hbm>>) target_semaphore(%run_scoped3A : memref<!tpu.dma_semaphore, #tpu.memory_space<semaphore_mem>>)
      %dma_wait3A = arith.constant 0 : i32
      %dma_wait3A_15 = tpu.memref_slice %arg5[%add3A, %dma_wait3A] : memref<20480x64xf32, #tpu.memory_space<hbm>> -> memref<640x64xf32, #tpu.memory_space<hbm>>
      %dma_wait3A_16 = arith.constant 0 : i32
      %dma_wait3A_17 = tpu.memref_slice %arg6[%mul3A_11, %dma_wait3A_16] : memref<10240x64xf32, #tpu.memory_space<vmem_shared>> -> memref<640x64xf32, #tpu.memory_space<vmem_shared>>
      tpu.wait_dma2 semaphore(%run_scoped3A : memref<!tpu.dma_semaphore, #tpu.memory_space<semaphore_mem>>) src(%dma_wait3A_17 : memref<640x64xf32, #tpu.memory_space<vmem_shared>>) dst(%dma_wait3A_15 : memref<640x64xf32, #tpu.memory_space<hbm>>)
      tpu.yield
    }) : () -> ()
    return
  }
}

#map = affine_map<(d0, d1) -> (0, 0)>
#map1 = affine_map<(d0, d1) -> (0, 0, 0, 0)>
#map2 = affine_map<(d0, d1) -> (0, 0, 0)>
module attributes {stable_mosaic.version = 14 : i64} {
  func.func @agg(%arg0: i32, %arg1: i32, %arg2: memref<20480x128xf32, #tpu.memory_space<hbm>>, %arg3: memref<2x16x160x128xi32, #tpu.memory_space<hbm>>, %arg4: memref<16x160x128xi32, #tpu.memory_space<hbm>>, %arg5: memref<20480x128xf32, #tpu.memory_space<hbm>>, %arg6: memref<10240x128xf32, #tpu.memory_space<vmem_shared>>, %arg7: memref<8x128xi32, #tpu.memory_space<vmem>>, %arg8: memref<8x128xi32, #tpu.memory_space<vmem>>, %arg9: memref<128x128xf32, #tpu.memory_space<vmem>>, %arg10: memref<!tpu.dma_semaphore, #tpu.memory_space<semaphore_mem>>) attributes {dimension_semantics = [#tpu.dimension_semantics<core_parallel>, #tpu.dimension_semantics<subcore_parallel>], iteration_bounds = array<i64: 2, 16>, scalar_prefetch = 0 : i64, scratch_operands = 5 : i64, tpu.core_type = #tpu.core_type<sc_vector_subcore>, window_params = [{transform_indices = #map}, {transform_indices = #map1}, {transform_indices = #map2}, {transform_indices = #map}]} {
    %mul3A = arith.constant 10240 : i32
    %mul3A_0 = arith.muli %arg0, %mul3A : i32
    %mul3A_1 = arith.constant 640 : i32
    %mul3A_2 = arith.muli %arg1, %mul3A_1 : i32
    %add3A = arith.addi %mul3A_0, %mul3A_2 : i32
    %mul3A_3 = arith.constant 640 : i32
    %mul3A_4 = arith.muli %arg1, %mul3A_3 : i32
    "tpu.region"() ({
      %run_scoped3A = tpu.sem_alloc : memref<!tpu.dma_semaphore, #tpu.memory_space<semaphore_mem>>
      %dma_start3A = arith.constant 0 : i32
      %dma_start3A_12 = tpu.memref_slice %arg6[%mul3A_4, %dma_start3A] : memref<10240x128xf32, #tpu.memory_space<vmem_shared>> -> memref<640x128xf32, #tpu.memory_space<vmem_shared>>
      %dma_start3A_13 = arith.constant 0 : i32
      %dma_start3A_14 = tpu.memref_slice %arg2[%add3A, %dma_start3A_13] : memref<20480x128xf32, #tpu.memory_space<hbm>> -> memref<640x128xf32, #tpu.memory_space<hbm>>
      tpu.enqueue_dma source(%dma_start3A_14 : memref<640x128xf32, #tpu.memory_space<hbm>>) target(%dma_start3A_12 : memref<640x128xf32, #tpu.memory_space<vmem_shared>>) target_semaphore(%run_scoped3A : memref<!tpu.dma_semaphore, #tpu.memory_space<semaphore_mem>>)
      %dma_wait3A = arith.constant 0 : i32
      %dma_wait3A_15 = tpu.memref_slice %arg6[%mul3A_4, %dma_wait3A] : memref<10240x128xf32, #tpu.memory_space<vmem_shared>> -> memref<640x128xf32, #tpu.memory_space<vmem_shared>>
      %dma_wait3A_16 = arith.constant 0 : i32
      %dma_wait3A_17 = tpu.memref_slice %arg2[%add3A, %dma_wait3A_16] : memref<20480x128xf32, #tpu.memory_space<hbm>> -> memref<640x128xf32, #tpu.memory_space<hbm>>
      tpu.wait_dma2 semaphore(%run_scoped3A : memref<!tpu.dma_semaphore, #tpu.memory_space<semaphore_mem>>) src(%dma_wait3A_17 : memref<640x128xf32, #tpu.memory_space<hbm>>) dst(%dma_wait3A_15 : memref<640x128xf32, #tpu.memory_space<vmem_shared>>)
      tpu.yield
    }) : () -> ()
    %barrier3A = arith.constant 0 : index
    tpu.barrier barrier_id(%barrier3A)
    %scan3A = arith.constant 0 : i32
    %scan3A_5 = arith.constant 20 : i32
    %scan3A_6 = arith.addi %scan3A, %scan3A_5 : i32
    %scan3A_7 = arith.constant 1 : i32
    scf.for %scan3A_12 = %scan3A to %scan3A_6 step %scan3A_7  : i32 {
      %mul3A_13 = arith.constant 1 : i32
      %mul3A_14 = arith.muli %scan3A_12, %mul3A_13 : i32
      %add3A_15 = arith.constant 0 : i32
      %add3A_16 = arith.addi %add3A_15, %mul3A_14 : i32
      %mul3A_17 = arith.constant 8 : i32
      %mul3A_18 = arith.muli %add3A_16, %mul3A_17 : i32
      "tpu.region"() ({
        %run_scoped3A = tpu.sem_alloc : memref<!tpu.dma_semaphore, #tpu.memory_space<semaphore_mem>>
        %dma_start3A = arith.constant 0 : i32
        %dma_start3A_26 = tpu.memref_slice %arg3[%arg0, %arg1, %mul3A_18, %dma_start3A] : memref<2x16x160x128xi32, #tpu.memory_space<hbm>> -> memref<1x1x8x128xi32, #tpu.memory_space<hbm>>
        %dma_start3A_27 = tpu.memref_squeeze %dma_start3A_26 : memref<1x1x8x128xi32, #tpu.memory_space<hbm>> -> memref<8x128xi32, #tpu.memory_space<hbm>>
        %dma_start3A_28 = arith.constant 0 : i32
        %dma_start3A_29 = tpu.memref_slice %arg3[%arg0, %arg1, %mul3A_18, %dma_start3A_28] : memref<2x16x160x128xi32, #tpu.memory_space<hbm>> -> memref<1x1x8x128xi32, #tpu.memory_space<hbm>>
        %dma_start3A_30 = tpu.memref_squeeze %dma_start3A_29 : memref<1x1x8x128xi32, #tpu.memory_space<hbm>> -> memref<8x128xi32, #tpu.memory_space<hbm>>
        tpu.enqueue_dma source(%dma_start3A_30 : memref<8x128xi32, #tpu.memory_space<hbm>>) target(%arg7 : memref<8x128xi32, #tpu.memory_space<vmem>>) target_semaphore(%run_scoped3A : memref<!tpu.dma_semaphore, #tpu.memory_space<semaphore_mem>>)
        %dma_wait3A = arith.constant 0 : i32
        %dma_wait3A_31 = tpu.memref_slice %arg3[%arg0, %arg1, %mul3A_18, %dma_wait3A] : memref<2x16x160x128xi32, #tpu.memory_space<hbm>> -> memref<1x1x8x128xi32, #tpu.memory_space<hbm>>
        %dma_wait3A_32 = tpu.memref_squeeze %dma_wait3A_31 : memref<1x1x8x128xi32, #tpu.memory_space<hbm>> -> memref<8x128xi32, #tpu.memory_space<hbm>>
        %dma_wait3A_33 = arith.constant 0 : i32
        %dma_wait3A_34 = tpu.memref_slice %arg3[%arg0, %arg1, %mul3A_18, %dma_wait3A_33] : memref<2x16x160x128xi32, #tpu.memory_space<hbm>> -> memref<1x1x8x128xi32, #tpu.memory_space<hbm>>
        %dma_wait3A_35 = tpu.memref_squeeze %dma_wait3A_34 : memref<1x1x8x128xi32, #tpu.memory_space<hbm>> -> memref<8x128xi32, #tpu.memory_space<hbm>>
        tpu.wait_dma2 semaphore(%run_scoped3A : memref<!tpu.dma_semaphore, #tpu.memory_space<semaphore_mem>>) src(%dma_wait3A_35 : memref<8x128xi32, #tpu.memory_space<hbm>>) dst(%arg7 : memref<8x128xi32, #tpu.memory_space<vmem>>)
        tpu.yield
      }) : () -> ()
      %mul3A_19 = arith.constant 8 : i32
      %mul3A_20 = arith.muli %add3A_16, %mul3A_19 : i32
      "tpu.region"() ({
        %run_scoped3A = tpu.sem_alloc : memref<!tpu.dma_semaphore, #tpu.memory_space<semaphore_mem>>
        %dma_start3A = arith.constant 0 : i32
        %dma_start3A_26 = tpu.memref_slice %arg4[%arg1, %mul3A_20, %dma_start3A] : memref<16x160x128xi32, #tpu.memory_space<hbm>> -> memref<1x8x128xi32, #tpu.memory_space<hbm>>
        %dma_start3A_27 = tpu.memref_squeeze %dma_start3A_26 : memref<1x8x128xi32, #tpu.memory_space<hbm>> -> memref<8x128xi32, #tpu.memory_space<hbm>>
        %dma_start3A_28 = arith.constant 0 : i32
        %dma_start3A_29 = tpu.memref_slice %arg4[%arg1, %mul3A_20, %dma_start3A_28] : memref<16x160x128xi32, #tpu.memory_space<hbm>> -> memref<1x8x128xi32, #tpu.memory_space<hbm>>
        %dma_start3A_30 = tpu.memref_squeeze %dma_start3A_29 : memref<1x8x128xi32, #tpu.memory_space<hbm>> -> memref<8x128xi32, #tpu.memory_space<hbm>>
        tpu.enqueue_dma source(%dma_start3A_30 : memref<8x128xi32, #tpu.memory_space<hbm>>) target(%arg8 : memref<8x128xi32, #tpu.memory_space<vmem>>) target_semaphore(%run_scoped3A : memref<!tpu.dma_semaphore, #tpu.memory_space<semaphore_mem>>)
        %dma_wait3A = arith.constant 0 : i32
        %dma_wait3A_31 = tpu.memref_slice %arg4[%arg1, %mul3A_20, %dma_wait3A] : memref<16x160x128xi32, #tpu.memory_space<hbm>> -> memref<1x8x128xi32, #tpu.memory_space<hbm>>
        %dma_wait3A_32 = tpu.memref_squeeze %dma_wait3A_31 : memref<1x8x128xi32, #tpu.memory_space<hbm>> -> memref<8x128xi32, #tpu.memory_space<hbm>>
        %dma_wait3A_33 = arith.constant 0 : i32
        %dma_wait3A_34 = tpu.memref_slice %arg4[%arg1, %mul3A_20, %dma_wait3A_33] : memref<16x160x128xi32, #tpu.memory_space<hbm>> -> memref<1x8x128xi32, #tpu.memory_space<hbm>>
        %dma_wait3A_35 = tpu.memref_squeeze %dma_wait3A_34 : memref<1x8x128xi32, #tpu.memory_space<hbm>> -> memref<8x128xi32, #tpu.memory_space<hbm>>
        tpu.wait_dma2 semaphore(%run_scoped3A : memref<!tpu.dma_semaphore, #tpu.memory_space<semaphore_mem>>) src(%dma_wait3A_35 : memref<8x128xi32, #tpu.memory_space<hbm>>) dst(%arg8 : memref<8x128xi32, #tpu.memory_space<vmem>>)
        tpu.yield
      }) : () -> ()
      %scan3A_21 = arith.constant 0 : i32
      %scan3A_22 = arith.constant 8 : i32
      %scan3A_23 = arith.addi %scan3A_21, %scan3A_22 : i32
      %scan3A_24 = arith.constant 1 : i32
      scf.for %scan3A_26 = %scan3A_21 to %scan3A_23 step %scan3A_24  : i32 {
        %mul3A_27 = arith.constant 1 : i32
        %mul3A_28 = arith.muli %scan3A_26, %mul3A_27 : i32
        %add3A_29 = arith.constant 0 : i32
        %add3A_30 = arith.addi %add3A_29, %mul3A_28 : i32
        %dma_start3A = arith.constant 0 : i32
        %dma_start3A_31 = tpu.memref_slice %arg7[%add3A_30, %dma_start3A] : memref<8x128xi32, #tpu.memory_space<vmem>> -> memref<1x128xi32, #tpu.memory_space<vmem>>
        %dma_start3A_32 = tpu.memref_squeeze %dma_start3A_31 : memref<1x128xi32, #tpu.memory_space<vmem>> -> memref<128xi32, #tpu.memory_space<vmem>>
        %dma_start3A_33 = arith.constant 0 : i32
        %dma_start3A_34 = arith.constant 0 : i32
        %dma_start3A_35 = tpu.memref_slice %arg2[%dma_start3A_33, %dma_start3A_34] : memref<20480x128xf32, #tpu.memory_space<hbm>> -> memref<20480x128xf32, #tpu.memory_space<hbm>>
        tpu.enqueue_indirect_dma source(%dma_start3A_35 : memref<20480x128xf32, #tpu.memory_space<hbm>>) target(%arg9 : memref<128x128xf32, #tpu.memory_space<vmem>>) offsets(%dma_start3A_32 : memref<128xi32, #tpu.memory_space<vmem>>) semaphore(%arg10 : memref<!tpu.dma_semaphore, #tpu.memory_space<semaphore_mem>>)
        %dma_wait3A = arith.constant 0 : i32
        %dma_wait3A_36 = tpu.memref_slice %arg7[%add3A_30, %dma_wait3A] : memref<8x128xi32, #tpu.memory_space<vmem>> -> memref<1x128xi32, #tpu.memory_space<vmem>>
        %dma_wait3A_37 = tpu.memref_squeeze %dma_wait3A_36 : memref<1x128xi32, #tpu.memory_space<vmem>> -> memref<128xi32, #tpu.memory_space<vmem>>
        %dma_wait3A_38 = arith.constant 0 : i32
        %dma_wait3A_39 = arith.constant 0 : i32
        %dma_wait3A_40 = tpu.memref_slice %arg2[%dma_wait3A_38, %dma_wait3A_39] : memref<20480x128xf32, #tpu.memory_space<hbm>> -> memref<20480x128xf32, #tpu.memory_space<hbm>>
        tpu.wait_indirect_dma semaphore(%arg10 : memref<!tpu.dma_semaphore, #tpu.memory_space<semaphore_mem>>) src(%dma_wait3A_40 : memref<20480x128xf32, #tpu.memory_space<hbm>>) dst(%arg9 : memref<128x128xf32, #tpu.memory_space<vmem>>)
        "tpu.region"() ({
          %run_scoped3A = tpu.sem_alloc : memref<!tpu.dma_semaphore, #tpu.memory_space<semaphore_mem>>
          %dma_start3A_41 = arith.constant 0 : i32
          %dma_start3A_42 = tpu.memref_slice %arg8[%add3A_30, %dma_start3A_41] : memref<8x128xi32, #tpu.memory_space<vmem>> -> memref<1x128xi32, #tpu.memory_space<vmem>>
          %dma_start3A_43 = tpu.memref_squeeze %dma_start3A_42 : memref<1x128xi32, #tpu.memory_space<vmem>> -> memref<128xi32, #tpu.memory_space<vmem>>
          %dma_start3A_44 = arith.constant 0 : i32
          %dma_start3A_45 = arith.constant 0 : i32
          %dma_start3A_46 = tpu.memref_slice %arg6[%dma_start3A_44, %dma_start3A_45] : memref<10240x128xf32, #tpu.memory_space<vmem_shared>> -> memref<10240x128xf32, #tpu.memory_space<vmem_shared>>
          tpu.enqueue_indirect_dma source(%arg9 : memref<128x128xf32, #tpu.memory_space<vmem>>) target(%dma_start3A_46 : memref<10240x128xf32, #tpu.memory_space<vmem_shared>>) offsets(%dma_start3A_43 : memref<128xi32, #tpu.memory_space<vmem>>) semaphore(%run_scoped3A : memref<!tpu.dma_semaphore, #tpu.memory_space<semaphore_mem>>) {add = true}
          %dma_wait3A_47 = arith.constant 0 : i32
          %dma_wait3A_48 = tpu.memref_slice %arg8[%add3A_30, %dma_wait3A_47] : memref<8x128xi32, #tpu.memory_space<vmem>> -> memref<1x128xi32, #tpu.memory_space<vmem>>
          %dma_wait3A_49 = tpu.memref_squeeze %dma_wait3A_48 : memref<1x128xi32, #tpu.memory_space<vmem>> -> memref<128xi32, #tpu.memory_space<vmem>>
          %dma_wait3A_50 = arith.constant 0 : i32
          %dma_wait3A_51 = arith.constant 0 : i32
          %dma_wait3A_52 = tpu.memref_slice %arg6[%dma_wait3A_50, %dma_wait3A_51] : memref<10240x128xf32, #tpu.memory_space<vmem_shared>> -> memref<10240x128xf32, #tpu.memory_space<vmem_shared>>
          tpu.wait_indirect_dma semaphore(%run_scoped3A : memref<!tpu.dma_semaphore, #tpu.memory_space<semaphore_mem>>) src(%arg9 : memref<128x128xf32, #tpu.memory_space<vmem>>) dst(%dma_wait3A_52 : memref<10240x128xf32, #tpu.memory_space<vmem_shared>>)
          tpu.yield
        }) : () -> ()
      }
      %scan3A_25 = arith.constant 8 : i32
    }
    %scan3A_8 = arith.constant 20 : i32
    %barrier3A_9 = arith.constant 0 : index
    tpu.barrier barrier_id(%barrier3A_9)
    %mul3A_10 = arith.constant 640 : i32
    %mul3A_11 = arith.muli %arg1, %mul3A_10 : i32
    "tpu.region"() ({
      %run_scoped3A = tpu.sem_alloc : memref<!tpu.dma_semaphore, #tpu.memory_space<semaphore_mem>>
      %dma_start3A = arith.constant 0 : i32
      %dma_start3A_12 = tpu.memref_slice %arg5[%add3A, %dma_start3A] : memref<20480x128xf32, #tpu.memory_space<hbm>> -> memref<640x128xf32, #tpu.memory_space<hbm>>
      %dma_start3A_13 = arith.constant 0 : i32
      %dma_start3A_14 = tpu.memref_slice %arg6[%mul3A_11, %dma_start3A_13] : memref<10240x128xf32, #tpu.memory_space<vmem_shared>> -> memref<640x128xf32, #tpu.memory_space<vmem_shared>>
      tpu.enqueue_dma source(%dma_start3A_14 : memref<640x128xf32, #tpu.memory_space<vmem_shared>>) target(%dma_start3A_12 : memref<640x128xf32, #tpu.memory_space<hbm>>) target_semaphore(%run_scoped3A : memref<!tpu.dma_semaphore, #tpu.memory_space<semaphore_mem>>)
      %dma_wait3A = arith.constant 0 : i32
      %dma_wait3A_15 = tpu.memref_slice %arg5[%add3A, %dma_wait3A] : memref<20480x128xf32, #tpu.memory_space<hbm>> -> memref<640x128xf32, #tpu.memory_space<hbm>>
      %dma_wait3A_16 = arith.constant 0 : i32
      %dma_wait3A_17 = tpu.memref_slice %arg6[%mul3A_11, %dma_wait3A_16] : memref<10240x128xf32, #tpu.memory_space<vmem_shared>> -> memref<640x128xf32, #tpu.memory_space<vmem_shared>>
      tpu.wait_dma2 semaphore(%run_scoped3A : memref<!tpu.dma_semaphore, #tpu.memory_space<semaphore_mem>>) src(%dma_wait3A_17 : memref<640x128xf32, #tpu.memory_space<vmem_shared>>) dst(%dma_wait3A_15 : memref<640x128xf32, #tpu.memory_space<hbm>>)
      tpu.yield
    }) : () -> ()
    return
  }
}

module attributes {stable_mosaic.version = 14 : i64} {
  func.func @_b1_body(%arg0: i32, %arg1: memref<1024x128xf32, #tpu.memory_space<vmem>>, %arg2: memref<128x256xf32, #tpu.memory_space<vmem>>, %arg3: memref<32x1024xf32, #tpu.memory_space<vmem>>, %arg4: memref<2x1024x128xf32, #tpu.memory_space<vmem>>) attributes {dimension_semantics = [#tpu.dimension_semantics<arbitrary>], iteration_bounds = array<i64: 10>, scalar_prefetch = 0 : i64, scratch_operands = 0 : i64, tpu.core_type = #tpu.core_type<tc>, window_params = [{transform_indices = @transform_0, window_bounds = array<i64: 1024, 128>}, {pipeline_mode = #tpu.pipeline_mode<synchronous>, transform_indices = @transform_1, window_bounds = array<i64: 128, 256>}, {transform_indices = @transform_2, window_bounds = array<i64: 32, 1024>}, {transform_indices = @transform_3, window_bounds = array<i64: 2, 1024, 128>}]} {
    %get3A = arith.constant 0 : index
    %get3A_0 = arith.constant 0 : index
    %get3A_1 = vector.load %arg3[%get3A, %get3A_0] : memref<32x1024xf32, #tpu.memory_space<vmem>>, vector<32x1024xf32>
    %reduce_sum3A = arith.constant dense<0.000000e+00> : vector<1024xf32>
    %reduce_sum3A_2 = vector.multi_reduction <add>, %get3A_1, %reduce_sum3A [0] : vector<32x1024xf32> to vector<1024xf32>
    %add3A = arith.constant 1.000000e+00 : f32
    %add3A_3 = vector.broadcast %add3A : f32 to vector<1024xf32>
    %add3A_4 = arith.addf %reduce_sum3A_2, %add3A_3 : vector<1024xf32>
    %rsqrt3A = math.rsqrt %add3A_4 : vector<1024xf32>
    %get3A_5 = arith.constant 0 : index
    %get3A_6 = arith.constant 0 : index
    %get3A_7 = vector.load %arg1[%get3A_5, %get3A_6] : memref<1024x128xf32, #tpu.memory_space<vmem>>, vector<1024x128xf32>
    %get3A_8 = arith.constant 0 : index
    %get3A_9 = arith.constant 0 : index
    %get3A_10 = vector.load %arg2[%get3A_8, %get3A_9] : memref<128x256xf32, #tpu.memory_space<vmem>>, vector<128x256xf32>
    %dot_general3A = arith.constant dense<0.000000e+00> : vector<1024x256xf32>
    %dot_general3A_11 = tpu.matmul %get3A_7, %get3A_10, %dot_general3A {dimension_numbers = #tpu.dot_dimension_numbers<[1], [0], [0], [1], [0, 0, 1, 1], [], []>, transpose_lhs_hint = false} : vector<1024x128xf32>, vector<128x256xf32>, vector<1024x256xf32> -> vector<1024x256xf32>
    %broadcast_in_dim3A = vector.shape_cast %rsqrt3A : vector<1024xf32> to vector<1024x1xf32>
    %mul3A = vector.broadcast %broadcast_in_dim3A : vector<1024x1xf32> to vector<1024x256xf32>
    %mul3A_12 = arith.mulf %dot_general3A_11, %mul3A : vector<1024x256xf32>
    %slice3A = vector.extract_strided_slice %mul3A_12 {offsets = [0, 0], sizes = [1024, 128], strides = [1, 1]} : vector<1024x256xf32> to vector<1024x128xf32>
    %swap3A = arith.constant 0 : index
    %swap3A_13 = arith.constant 0 : index
    %swap3A_14 = arith.constant 0 : index
    %swap3A_15 = vector.load %arg4[%swap3A, %swap3A_13, %swap3A_14] : memref<2x1024x128xf32, #tpu.memory_space<vmem>>, vector<1x1024x128xf32>
    %swap3A_16 = vector.shape_cast %swap3A_15 : vector<1x1024x128xf32> to vector<1024x128xf32>
    %swap3A_17 = vector.shape_cast %slice3A : vector<1024x128xf32> to vector<1x1024x128xf32>
    tpu.vector_store %arg4[%swap3A, %swap3A_13, %swap3A_14], %swap3A_17 {strides = array<i32>} : memref<2x1024x128xf32, #tpu.memory_space<vmem>>, vector<1x1024x128xf32>,
    %slice3A_18 = vector.extract_strided_slice %mul3A_12 {offsets = [0, 128], sizes = [1024, 128], strides = [1, 1]} : vector<1024x256xf32> to vector<1024x128xf32>
    %swap3A_19 = arith.constant 1 : index
    %swap3A_20 = arith.constant 0 : index
    %swap3A_21 = arith.constant 0 : index
    %swap3A_22 = vector.load %arg4[%swap3A_19, %swap3A_20, %swap3A_21] : memref<2x1024x128xf32, #tpu.memory_space<vmem>>, vector<1x1024x128xf32>
    %swap3A_23 = vector.shape_cast %swap3A_22 : vector<1x1024x128xf32> to vector<1024x128xf32>
    %swap3A_24 = vector.shape_cast %slice3A_18 : vector<1024x128xf32> to vector<1x1024x128xf32>
    tpu.vector_store %arg4[%swap3A_19, %swap3A_20, %swap3A_21], %swap3A_24 {strides = array<i32>} : memref<2x1024x128xf32, #tpu.memory_space<vmem>>, vector<1x1024x128xf32>,
    return
  }
  func.func @transform_0(%arg0: i32) -> (i32, i32) {
    %c0_i32 = arith.constant 0 : i32
    %c0_i32_0 = arith.constant 0 : i32
    return %arg0, %c0_i32 : i32, i32
  }
  func.func @transform_1(%arg0: i32) -> (i32, i32) {
    %c0_i32 = arith.constant 0 : i32
    %c0_i32_0 = arith.constant 0 : i32
    %c0_i32_1 = arith.constant 0 : i32
    return %c0_i32, %c0_i32_0 : i32, i32
  }
  func.func @transform_2(%arg0: i32) -> (i32, i32) {
    %c0_i32 = arith.constant 0 : i32
    %c0_i32_0 = arith.constant 0 : i32
    return %c0_i32, %arg0 : i32, i32
  }
  func.func @transform_3(%arg0: i32) -> (i32, i32, i32) {
    %c0_i32 = arith.constant 0 : i32
    %c0_i32_0 = arith.constant 0 : i32
    %c0_i32_1 = arith.constant 0 : i32
    return %c0_i32, %arg0, %c0_i32_0 : i32, i32, i32
  }
}

module attributes {stable_mosaic.version = 14 : i64} {
  func.func @_b2_body(%arg0: i32, %arg1: memref<2x1024x128xf32, #tpu.memory_space<vmem>>, %arg2: memref<256x128xf32, #tpu.memory_space<vmem>>, %arg3: memref<256xf32, #tpu.memory_space<vmem>>, %arg4: memref<32x1024xf32, #tpu.memory_space<vmem>>, %arg5: memref<2x1024x64xf32, #tpu.memory_space<vmem>>) attributes {dimension_semantics = [#tpu.dimension_semantics<arbitrary>], iteration_bounds = array<i64: 10>, scalar_prefetch = 0 : i64, scratch_operands = 0 : i64, tpu.core_type = #tpu.core_type<tc>, window_params = [{transform_indices = @transform_0, window_bounds = array<i64: 2, 1024, 128>}, {pipeline_mode = #tpu.pipeline_mode<synchronous>, transform_indices = @transform_1, window_bounds = array<i64: 256, 128>}, {pipeline_mode = #tpu.pipeline_mode<synchronous>, transform_indices = @transform_2, window_bounds = array<i64: 256>}, {transform_indices = @transform_3, window_bounds = array<i64: 32, 1024>}, {transform_indices = @transform_4, window_bounds = array<i64: 2, 1024, 64>}]} {
    %get3A = arith.constant 0 : index
    %get3A_0 = arith.constant 0 : index
    %get3A_1 = vector.load %arg4[%get3A, %get3A_0] : memref<32x1024xf32, #tpu.memory_space<vmem>>, vector<32x1024xf32>
    %reduce_sum3A = arith.constant dense<0.000000e+00> : vector<1024xf32>
    %reduce_sum3A_2 = vector.multi_reduction <add>, %get3A_1, %reduce_sum3A [0] : vector<32x1024xf32> to vector<1024xf32>
    %add3A = arith.constant 1.000000e+00 : f32
    %add3A_3 = vector.broadcast %add3A : f32 to vector<1024xf32>
    %add3A_4 = arith.addf %reduce_sum3A_2, %add3A_3 : vector<1024xf32>
    %rsqrt3A = math.rsqrt %add3A_4 : vector<1024xf32>
    %get3A_5 = arith.constant 0 : index
    %get3A_6 = arith.constant 0 : index
    %get3A_7 = arith.constant 0 : index
    %get3A_8 = vector.load %arg1[%get3A_5, %get3A_6, %get3A_7] : memref<2x1024x128xf32, #tpu.memory_space<vmem>>, vector<1x1024x128xf32>
    %get3A_9 = vector.shape_cast %get3A_8 : vector<1x1024x128xf32> to vector<1024x128xf32>
    %get3A_10 = arith.constant 1 : index
    %get3A_11 = arith.constant 0 : index
    %get3A_12 = arith.constant 0 : index
    %get3A_13 = vector.load %arg1[%get3A_10, %get3A_11, %get3A_12] : memref<2x1024x128xf32, #tpu.memory_space<vmem>>, vector<1x1024x128xf32>
    %get3A_14 = vector.shape_cast %get3A_13 : vector<1x1024x128xf32> to vector<1024x128xf32>
    %concatenate3A = tpu.concatenate %get3A_9, %get3A_14 in 1 : vector<1024x128xf32>, vector<1024x128xf32> -> vector<1024x256xf32>
    %broadcast_in_dim3A = vector.shape_cast %rsqrt3A : vector<1024xf32> to vector<1024x1xf32>
    %mul3A = vector.broadcast %broadcast_in_dim3A : vector<1024x1xf32> to vector<1024x256xf32>
    %mul3A_15 = arith.mulf %concatenate3A, %mul3A : vector<1024x256xf32>
    %get3A_16 = arith.constant 0 : index
    %get3A_17 = vector.load %arg3[%get3A_16] : memref<256xf32, #tpu.memory_space<vmem>>, vector<256xf32>
    %broadcast_in_dim3A_18 = vector.shape_cast %get3A_17 : vector<256xf32> to vector<1x256xf32>
    %add3A_19 = vector.broadcast %broadcast_in_dim3A_18 : vector<1x256xf32> to vector<1024x256xf32>
    %add3A_20 = arith.addf %mul3A_15, %add3A_19 : vector<1024x256xf32>
    %get3A_21 = arith.constant 0 : index
    %get3A_22 = arith.constant 0 : index
    %get3A_23 = vector.load %arg2[%get3A_21, %get3A_22] : memref<256x128xf32, #tpu.memory_space<vmem>>, vector<256x128xf32>
    %dot_general3A = arith.constant dense<0.000000e+00> : vector<1024x128xf32>
    %dot_general3A_24 = tpu.matmul %add3A_20, %get3A_23, %dot_general3A {dimension_numbers = #tpu.dot_dimension_numbers<[1], [0], [0], [1], [0, 0, 1, 1], [], []>, transpose_lhs_hint = false} : vector<1024x256xf32>, vector<256x128xf32>, vector<1024x128xf32> -> vector<1024x128xf32>
    %broadcast_in_dim3A_25 = vector.shape_cast %rsqrt3A : vector<1024xf32> to vector<1024x1xf32>
    %mul3A_26 = vector.broadcast %broadcast_in_dim3A_25 : vector<1024x1xf32> to vector<1024x128xf32>
    %mul3A_27 = arith.mulf %dot_general3A_24, %mul3A_26 : vector<1024x128xf32>
    %slice3A = vector.extract_strided_slice %mul3A_27 {offsets = [0, 0], sizes = [1024, 64], strides = [1, 1]} : vector<1024x128xf32> to vector<1024x64xf32>
    %swap3A = arith.constant 0 : index
    %swap3A_28 = arith.constant 0 : index
    %swap3A_29 = arith.constant 0 : index
    %swap3A_30 = vector.load %arg5[%swap3A, %swap3A_28, %swap3A_29] : memref<2x1024x64xf32, #tpu.memory_space<vmem>>, vector<1x1024x64xf32>
    %swap3A_31 = vector.shape_cast %swap3A_30 : vector<1x1024x64xf32> to vector<1024x64xf32>
    %swap3A_32 = vector.shape_cast %slice3A : vector<1024x64xf32> to vector<1x1024x64xf32>
    tpu.vector_store %arg5[%swap3A, %swap3A_28, %swap3A_29], %swap3A_32 {strides = array<i32>} : memref<2x1024x64xf32, #tpu.memory_space<vmem>>, vector<1x1024x64xf32>,
    %slice3A_33 = vector.extract_strided_slice %mul3A_27 {offsets = [0, 64], sizes = [1024, 64], strides = [1, 1]} : vector<1024x128xf32> to vector<1024x64xf32>
    %swap3A_34 = arith.constant 1 : index
    %swap3A_35 = arith.constant 0 : index
    %swap3A_36 = arith.constant 0 : index
    %swap3A_37 = vector.load %arg5[%swap3A_34, %swap3A_35, %swap3A_36] : memref<2x1024x64xf32, #tpu.memory_space<vmem>>, vector<1x1024x64xf32>
    %swap3A_38 = vector.shape_cast %swap3A_37 : vector<1x1024x64xf32> to vector<1024x64xf32>
    %swap3A_39 = vector.shape_cast %slice3A_33 : vector<1024x64xf32> to vector<1x1024x64xf32>
    tpu.vector_store %arg5[%swap3A_34, %swap3A_35, %swap3A_36], %swap3A_39 {strides = array<i32>} : memref<2x1024x64xf32, #tpu.memory_space<vmem>>, vector<1x1024x64xf32>,
    return
  }
  func.func @transform_0(%arg0: i32) -> (i32, i32, i32) {
    %c0_i32 = arith.constant 0 : i32
    %c0_i32_0 = arith.constant 0 : i32
    %c0_i32_1 = arith.constant 0 : i32
    return %c0_i32, %arg0, %c0_i32_0 : i32, i32, i32
  }
  func.func @transform_1(%arg0: i32) -> (i32, i32) {
    %c0_i32 = arith.constant 0 : i32
    %c0_i32_0 = arith.constant 0 : i32
    %c0_i32_1 = arith.constant 0 : i32
    return %c0_i32, %c0_i32_0 : i32, i32
  }
  func.func @transform_2(%arg0: i32) -> i32 {
    %c0_i32 = arith.constant 0 : i32
    %c0_i32_0 = arith.constant 0 : i32
    return %c0_i32 : i32
  }
  func.func @transform_3(%arg0: i32) -> (i32, i32) {
    %c0_i32 = arith.constant 0 : i32
    %c0_i32_0 = arith.constant 0 : i32
    return %c0_i32, %arg0 : i32, i32
  }
  func.func @transform_4(%arg0: i32) -> (i32, i32, i32) {
    %c0_i32 = arith.constant 0 : i32
    %c0_i32_0 = arith.constant 0 : i32
    %c0_i32_1 = arith.constant 0 : i32
    return %c0_i32, %arg0, %c0_i32_0 : i32, i32, i32
  }
}

module attributes {stable_mosaic.version = 14 : i64} {
  func.func @_b3_body(%arg0: i32, %arg1: memref<2x1024x64xf32, #tpu.memory_space<vmem>>, %arg2: memref<128xf32, #tpu.memory_space<vmem>>, %arg3: memref<32x1024xf32, #tpu.memory_space<vmem>>, %arg4: memref<1024x128xf32, #tpu.memory_space<vmem>>) attributes {dimension_semantics = [#tpu.dimension_semantics<arbitrary>], iteration_bounds = array<i64: 10>, scalar_prefetch = 0 : i64, scratch_operands = 0 : i64, tpu.core_type = #tpu.core_type<tc>, window_params = [{transform_indices = @transform_0, window_bounds = array<i64: 2, 1024, 64>}, {pipeline_mode = #tpu.pipeline_mode<synchronous>, transform_indices = @transform_1, window_bounds = array<i64: 128>}, {transform_indices = @transform_2, window_bounds = array<i64: 32, 1024>}, {transform_indices = @transform_3, window_bounds = array<i64: 1024, 128>}]} {
    %get3A = arith.constant 0 : index
    %get3A_0 = arith.constant 0 : index
    %get3A_1 = vector.load %arg3[%get3A, %get3A_0] : memref<32x1024xf32, #tpu.memory_space<vmem>>, vector<32x1024xf32>
    %reduce_sum3A = arith.constant dense<0.000000e+00> : vector<1024xf32>
    %reduce_sum3A_2 = vector.multi_reduction <add>, %get3A_1, %reduce_sum3A [0] : vector<32x1024xf32> to vector<1024xf32>
    %add3A = arith.constant 1.000000e+00 : f32
    %add3A_3 = vector.broadcast %add3A : f32 to vector<1024xf32>
    %add3A_4 = arith.addf %reduce_sum3A_2, %add3A_3 : vector<1024xf32>
    %rsqrt3A = math.rsqrt %add3A_4 : vector<1024xf32>
    %get3A_5 = arith.constant 0 : index
    %get3A_6 = arith.constant 0 : index
    %get3A_7 = arith.constant 0 : index
    %get3A_8 = vector.load %arg1[%get3A_5, %get3A_6, %get3A_7] : memref<2x1024x64xf32, #tpu.memory_space<vmem>>, vector<1x1024x64xf32>
    %get3A_9 = vector.shape_cast %get3A_8 : vector<1x1024x64xf32> to vector<1024x64xf32>
    %get3A_10 = arith.constant 1 : index
    %get3A_11 = arith.constant 0 : index
    %get3A_12 = arith.constant 0 : index
    %get3A_13 = vector.load %arg1[%get3A_10, %get3A_11, %get3A_12] : memref<2x1024x64xf32, #tpu.memory_space<vmem>>, vector<1x1024x64xf32>
    %get3A_14 = vector.shape_cast %get3A_13 : vector<1x1024x64xf32> to vector<1024x64xf32>
    %concatenate3A = tpu.concatenate %get3A_9, %get3A_14 in 1 : vector<1024x64xf32>, vector<1024x64xf32> -> vector<1024x128xf32>
    %broadcast_in_dim3A = vector.shape_cast %rsqrt3A : vector<1024xf32> to vector<1024x1xf32>
    %mul3A = vector.broadcast %broadcast_in_dim3A : vector<1024x1xf32> to vector<1024x128xf32>
    %mul3A_15 = arith.mulf %concatenate3A, %mul3A : vector<1024x128xf32>
    %get3A_16 = arith.constant 0 : index
    %get3A_17 = vector.load %arg2[%get3A_16] : memref<128xf32, #tpu.memory_space<vmem>>, vector<128xf32>
    %broadcast_in_dim3A_18 = vector.shape_cast %get3A_17 : vector<128xf32> to vector<1x128xf32>
    %add3A_19 = vector.broadcast %broadcast_in_dim3A_18 : vector<1x128xf32> to vector<1024x128xf32>
    %add3A_20 = arith.addf %mul3A_15, %add3A_19 : vector<1024x128xf32>
    %logistic3A = arith.negf %add3A_20 : vector<1024x128xf32>
    %logistic3A_21 = math.exp %logistic3A : vector<1024x128xf32>
    %logistic3A_22 = arith.constant 1.000000e+00 : f32
    %logistic3A_23 = vector.broadcast %logistic3A_22 : f32 to vector<1024x128xf32>
    %logistic3A_24 = arith.addf %logistic3A_23, %logistic3A_21 : vector<1024x128xf32>
    %logistic3A_25 = arith.divf %logistic3A_23, %logistic3A_24 : vector<1024x128xf32>
    %swap3A = arith.constant 0 : index
    %swap3A_26 = arith.constant 0 : index
    %swap3A_27 = vector.load %arg4[%swap3A, %swap3A_26] : memref<1024x128xf32, #tpu.memory_space<vmem>>, vector<1024x128xf32>
    tpu.vector_store %arg4[%swap3A, %swap3A_26], %logistic3A_25 {strides = array<i32>} : memref<1024x128xf32, #tpu.memory_space<vmem>>, vector<1024x128xf32>,
    return
  }
  func.func @transform_0(%arg0: i32) -> (i32, i32, i32) {
    %c0_i32 = arith.constant 0 : i32
    %c0_i32_0 = arith.constant 0 : i32
    %c0_i32_1 = arith.constant 0 : i32
    return %c0_i32, %arg0, %c0_i32_0 : i32, i32, i32
  }
  func.func @transform_1(%arg0: i32) -> i32 {
    %c0_i32 = arith.constant 0 : i32
    %c0_i32_0 = arith.constant 0 : i32
    return %c0_i32 : i32
  }
  func.func @transform_2(%arg0: i32) -> (i32, i32) {
    %c0_i32 = arith.constant 0 : i32
    %c0_i32_0 = arith.constant 0 : i32
    return %c0_i32, %arg0 : i32, i32
  }
  func.func @transform_3(%arg0: i32) -> (i32, i32) {
    %c0_i32 = arith.constant 0 : i32
    %c0_i32_0 = arith.constant 0 : i32
    return %arg0, %c0_i32 : i32, i32
  }
}

</mosaic_0001>

<sc_bundles>
// kernel: kernel.11.cloned.1.call-start
scs
__scs_entry_jumppad:
0x0: {  	(pc) =	sbr.rel $0x88, $3  }
0x1: {  	(tag) =	ssettag $0x0;
	lr =	simm.s32 $0x1  }
0x2: {  	[smem:$0x3F9B] =	sst lr;
	_ =	strace $0xD0000000  }
0x3: {  	_ = 	snop  }
0x4: {  	_ = 	snop  }
0x5: {  	_ = 	snop  }
0x6: {  	_ = 	snop  }
0x7: {  	_ = 	snop  }
__scs_overlays_trampoline_lowered:
0x8: {  	[smem:$0x3FAA] =	sst s0  }
0x9: {  	[smem:$0x3FAB] =	sst s1  }
0xa: {  	[smem:$0x3FAC] =	sst s2  }
0xb: {  	[smem:$0x3FAD] =	sst s3  }
0xc: {  	[smem:$0x3FAE] =	sst s4  }
0xd: {  	[smem:$0x3FAF] =	sst s5  }
0xe: {  	[smem:$0x3FB0] =	sst s6  }
0xf: {  	[smem:$0x3FB1] =	sst s7  }
0x10: {  	[smem:$0x3FB2] =	sst s8  }
0x11: {  	[smem:$0x3FB3] =	sst s9;
	s0 =	simm.s32 @!p0 $0x0  }
0x12: {  	s1 =	sld [smem:$0x3F99];
	s0 =	simm.s32 @p0 $0x1  }
0x13: {  	[smem:$0x3FB4] =	sst s0;
	s0 =	simm.s32 @!p1 $0x0  }
0x14: {  	s2 =	sld [smem:$0x3F98];
	s0 =	simm.s32 @p1 $0x1  }
0x15: {  	[smem:$0x3FB5] =	sst s0;
	s0 =	simm.s32 @!p2 $0x0  }
0x16: {  	s3 =	sld [smem:$0x3FDB];
	s0 =	simm.s32 @p2 $0x1  }
0x17: {  	s4 =	simm.s32 $0x1BF5;
	[smem:$0x3FB7] =	sst s0  }
0x18: {  	s0 =	sld [smem:$0x3F9A];
	_ =	swait.ge [sflag:s4], $0x0  }
0x19: {  	s7 =	sld [smem:$0x3F9B]  }
0x1a: {  	s8 =	sadd.s32 $0xFFFFE003, lr  }
0x1b: {  	s9 =	sadd.s32 $0xFFFFFEF7, lr;
	s5 =	simm.s32 $0xFFFFFFFF;
	p2 =	slt.u32 s8, $0xFFFFF086  }
0x1c: {  	p1 =	slt.u32 s9, $0xF7A;
	s5 =	simm.s32 @!p2 $0x0  }
0x1d: {  	s5 =	simm.s32 @p1 $0x1;
	p0 =	seq.s32 s7, s2  }
0x1e: {  	s7 =	smul.u32 @!p0 $0xF7A, s2;
	p2 =	seq.s32 @!p0 s5, $0x0  }
0x1f: {  	s9 =	smul.u32 $0xF7A, s1;
	s8 =	simm.s32 @!p0 $0x1BF5;
	p2 =	por !p2, p0  }
0x20: {  	[sflag:s8] =	ssyncset.s32 @!p0 $0xFFFFF086;
	s6 =	sadd.s32 @!p0 s3, s7;
	s7 =	simm.s32 @!p0 $0x108  }
0x21: {  	s3 =	sadd.s32 s3, s9;
	s6 =	sadd.s32 @!p0 $0x88, s6;
	s7 =	simm.s32 @p2 $0x1082  }
0x22: {  	[simem:s7], [sflag:s8] =	dma.local @!p0 [hbm:s6], $0xF7A  }
0x23: {  	s9 =	sor.u32 $0xD0000000, s2;
	s6 =	simm.s32 $0x108;
	_ =	swait.ge @!p0 [sflag:s8], $0x0  }
0x24: {  	s3 =	sadd.s32 $0x88, s3;
	s6 =	simm.s32 @!p1 $0x1082;
	[sflag:s4] =	ssyncset.s32 $0xFFFFF086  }
0x25: {  	[simem:s6], [sflag:s4] =	dma.local [hbm:s3], $0xF7A  }
0x26: {  	[smem:$0x3F9B] =	sst s1;
	(tag) =	ssettag s2;
	_ =	strace s9  }
0x27: {  	s1 =	sld [smem:$0x3FAB]  }
0x28: {  	s2 =	sld [smem:$0x3FAC]  }
0x29: {  	s4 =	sld [smem:$0x3FAE]  }
0x2a: {  	p0 =	seq.s32 s5, $0x0;
	s5 =	sld [smem:$0x3FAF]  }
0x2b: {  	s6 =	sld [smem:$0x3FB0]  }
0x2c: {  	s7 =	sld [smem:$0x3FB1]  }
0x2d: {  	s3 =	simm.s32 $0x108;
	s8 =	sld [smem:$0x3FB2]  }
0x2e: {  	s3 =	simm.s32 @!p0 $0x1082;
	s9 =	sld [smem:$0x3FB3]  }
0x2f: {  	lr =	sadd.s32 s0, s3;
	s0 =	sld [smem:$0x3FAA]  }
0x30: {  	s3 =	sld [smem:$0x3FAD]  }
0x31: {  	[smem:$0x3FB6] =	sst s10  }
0x32: {  	s10 =	sld [smem:$0x3FB4];
	_ =	sdelay $0x3  }
0x33: {  	p0 =	seq.s32 s10, $0x1;
	s10 =	sld [smem:$0x3FB6];
	_ =	sdelay $0x3  }
0x34: {  	[smem:$0x3FB6] =	sst s10  }
0x35: {  	s10 =	sld [smem:$0x3FB5];
	_ =	sdelay $0x3  }
0x36: {  	p1 =	seq.s32 s10, $0x1;
	s10 =	sld [smem:$0x3FB6];
	_ =	sdelay $0x3  }
0x37: {  	[smem:$0x3FB6] =	sst s10  }
0x38: {  	s10 =	sld [smem:$0x3FB7]  }
0x39: {  	_ = 	snop;
	(pc) =	sbr.ind lr, $3  }
0x3a: {  	_ = 	snop  }
0x3b: {  	_ = 	snop  }
0x3c: {  	p2 =	seq.s32 s10, $0x1;
	s10 =	sld [smem:$0x3FB6]  }
0x3d: {  	_ =	shalt  }
0x3e: {  	_ =	shalt  }
0x3f: {  	_ =	shalt  }
0x40: {  	_ =	shalt  }
0x41: {  	_ =	shalt  }
0x42: {  	_ =	shalt  }
0x43: {  	_ =	shalt  }
0x44: {  	_ =	shalt  }
0x45: {  	_ =	shalt  }
0x46: {  	_ =	shalt  }
0x47: {  	_ =	shalt  }
0x48: {  	_ =	shalt  }
0x49: {  	_ =	shalt  }
0x4a: {  	_ =	shalt  }
0x4b: {  	_ =	shalt  }
0x4c: {  	_ =	shalt  }
0x4d: {  	_ =	shalt  }
0x4e: {  	_ =	shalt  }
0x4f: {  	_ =	shalt  }
0x50: {  	_ =	shalt  }
0x51: {  	_ =	shalt  }
0x52: {  	_ =	shalt  }
0x53: {  	_ =	shalt  }
0x54: {  	_ =	shalt  }
0x55: {  	_ =	shalt  }
0x56: {  	_ =	shalt  }
0x57: {  	_ =	shalt  }
0x58: {  	_ =	shalt  }
0x59: {  	_ =	shalt  }
0x5a: {  	_ =	shalt  }
0x5b: {  	_ =	shalt  }
0x5c: {  	_ =	shalt  }
0x5d: {  	_ =	shalt  }
0x5e: {  	_ =	shalt  }
0x5f: {  	_ =	shalt  }
0x60: {  	_ =	shalt  }
0x61: {  	_ =	shalt  }
0x62: {  	_ =	shalt  }
0x63: {  	_ =	shalt  }
0x64: {  	_ =	shalt  }
0x65: {  	_ =	shalt  }
0x66: {  	_ =	shalt  }
0x67: {  	_ =	shalt  }
0x68: {  	_ =	shalt  }
0x69: {  	_ =	shalt  }
0x6a: {  	_ =	shalt  }
0x6b: {  	_ =	shalt  }
0x6c: {  	_ =	shalt  }
0x6d: {  	_ =	shalt  }
0x6e: {  	_ =	shalt  }
0x6f: {  	_ =	shalt  }
0x70: {  	_ =	shalt  }
0x71: {  	_ =	shalt  }
0x72: {  	_ =	shalt  }
0x73: {  	_ =	shalt  }
0x74: {  	_ =	shalt  }
0x75: {  	_ =	shalt  }
0x76: {  	_ =	shalt  }
0x77: {  	_ =	shalt  }
0x78: {  	_ =	shalt  }
0x79: {  	_ =	shalt  }
0x7a: {  	_ =	shalt  }
0x7b: {  	_ =	shalt  }
0x7c: {  	_ =	shalt  }
0x7d: {  	_ =	shalt  }
0x7e: {  	_ =	shalt  }
0x7f: {  	_ =	shalt  }
0x80: {  	_ =	shalt  }
0x81: {  	_ =	shalt  }
0x82: {  	_ =	shalt  }
0x83: {  	_ =	shalt  }
0x84: {  	_ =	shalt  }
0x85: {  	_ =	shalt  }
0x86: {  	_ =	shalt  }
0x87: {  	_ =	shalt  }
.Lfunc_end0:
.L_simem_size_0:
called_computation.1_lowered:
.L_overlay_start_0:
0x88: {  	s2 =	sld [smem:$0x3FD9]  }
0x89: {  	s3 =	sld [smem:$0x3FFE];
	_ =	sdelay $0x1  }
0x8a: {  	s1 =	srdreg.scid  }
0x8b: {  	s0 =	sand.u32 $0x1, s1  }
0x8c: {  	s17 =	sshll.u32 s0, $0xA;
	s2 =	sadd.s32 s3, s2  }
0x8d: {  	s2 =	sadd.s32 s2, s17  }
0x8e: {  	[smem:$0x3FC2] =	sst s2  }
0x8f: {  	_ = 	snop  }
0x90: {  	s2 =	sld [smem:$0x3FD0];
	(tm) =	ssettm $0x1  }
0x91: {  	s18 =	sld [smem:$0x3FFB];
	_ =	sdelay $0x3  }
0x92: {  	_ =	strace s18  }
0x93: {  	s3 =	sld [smem:$0x3FFC];
	_ =	sdelay $0x3  }
0x94: {  	_ =	strace s3  }
0x95: {  	s3 =	sld [smem:$0x3FFD];
	_ =	sdelay $0x3  }
0x96: {  	_ =	strace s3  }
0x97: {  	_ =	strace $0x8FFFFFFF  }
0x98: {  	s19 =	sld [smem:$0x3FDB];
	_ =	sdelay $0x1  }
0x99: {  	s4 =	simm.s32 $_scs_section_size  }
0x9a: {  	s5 =	simm.s32 $_size__tile_overlayer_lowered;
	s6 =	simm.s32 $_tile_overlayer_lowered  }
0x9b: {  	s22 =	simm.s32 $0x1BFF;
	s21 =	sshll.u32 s6, $0x1;
	s3 =	sadd.s32 s4, s19  }
0x9c: {  	s7 =	simm.s32 $0x0;
	s20 =	sshll.u32 s5, $0x1;
	s5 =	sadd.s32 s21, s3  }
0x9d: {  	[timem:s7], [sflag:s22] =	dma.local [hbm:s5], s20  }
0x9e: {  	_ =	swait.ge [sflag:s22], s20  }
0x9f: {  	s4 =	ssub.s32 $0x0, s20;
	[sflag:s22] =	ssyncset.done $0x0  }
0xa0: {  	[sflag:s22] =	ssyncadd.s32 s4;
	_ =	sdelay $0x1  }
0xa1: {  	s23 =	simm.s32 $0x1B8B  }
0xa2: {  	_ =	swait.ge [sflag:s23], $0x1  }
0xa3: {  	[sflag:s23] =	ssyncset.done $0x0  }
0xa4: {  	s25 =	simm.s32 $0x1B8E;
	s24 =	sld [smem:$0x3FFE];
	[sflag:s23] =	ssyncadd.s32 $0xFFFFFFFF  }
0xa5: {  	s26 =	simm.s32 $execute0_lowered;
	[smem:$0x3FD2] =	sst s25  }
0xa6: {  	s5 =	sshll.u32 s26, $0x1;
	_ =	strace $0x80000049;
	[dreg:$0x1] =	wrdreg $0xFFFFFFFF  }
0xa7: {  	s28 =	simm.s32 $_size_execute0_lowered;
	s3 =	sadd.s32 s3, s5;
	[dreg:$0x0] =	wrdreg $0x0  }
0xa8: {  	s5 =	sshll.u32 s28, $0x1;
	[dreg:$0x2] =	wrdreg s3  }
0xa9: {  	[dreg:$0x3] =	wrdreg s5  }
0xaa: {  	[dreg:$0x4] =	wrdreg $0xC0  }
0xab: {  	_ =	task [dreg:s7], $0x5FFFF  }
0xac: {  	[dreg:$0x1] =	wrdreg $0xFFFFFFFF  }
0xad: {  	[dreg:$0x0] =	wrdreg $0x60  }
0xae: {  	[dreg:$0x2] =	wrdreg s24  }
0xaf: {  	[dreg:$0x3] =	wrdreg s2  }
0xb0: {  	[dreg:$0x4] =	wrdreg $0x0  }
0xb1: {  	[dreg:$0x5] =	wrdreg $0x9  }
0xb2: {  	_ =	task.clear_ibuf [dreg:s7], $0x6FFFF;
	_ =	strace $0x90000049  }
0xb3: {  	s29 =	simm.s32 $0x9;
	_ =	strace $0x8000004B  }
0xb4: {  	_ =	swait.ge [sflag:s29], $0x1  }
0xb5: {  	[sflag:s29] =	ssyncadd.s32 $0xFFFFFFFF  }
0xb6: {  	_ =	strace $0x9000004B  }
0xb7: {  	_ =	sfence  }
0xb8: {  	s30 =	sld [smem:$0x0];
	_ =	sdelay $0x2  }
0xb9: {  	s31 =	sshll.u32 s1, $0xD;
	s1 =	sshrl.u32 s1, $0x2  }
0xba: {  	s3 =	sand.u32 $0x4000, s31;
	s1 =	sadd.s32 s1, s30  }
0xbb: {  	s0 =	sor.u32 s3, s0;
	s1 =	sshll.u32 s1, $0x11  }
0xbc: {  	s0 =	sor.u32 s1, s0  }
0xbd: {  	s0 =	sadd.s32 $0x8F2B, s0  }
0xbe: {  	[sflag:s0] =	ssyncadd.remote.s32 $0x1  }
0xbf: {  	_ =	sfence.sel $0xFFFF  }
0xc0: {  	[dreg:$0x0] =	wrdreg $0xFFFFFFFF;
	(pc) =	sbr.abs _section_cstart, $3  }
0xc1: {  	[dreg:$0x1] =	wrdreg $0xFFFFFFFF  }
0xc2: {  	_ =	task.clear_ibuf [dreg:s7], $0x2FFFF;
	_ =	strace $0x9FFFFFFF  }
0xc3: {  	(tm) =	ssettm $0x7FFFFFFF  }
tec
execute0_lowered:
.L_overlay_start_1:
0x0: {  	(tag) =	ssettag $0x1  }
0x1: {  	s0 =	rddreg [dreg:$0x0]  }
0x2: {  	s1 =	rddreg [dreg:$0x1]  }
0x3: {  	s3 =	srdreg.scid;
	s2 =	rddreg [dreg:$0x2]  }
0x4: {  	s12 =	stileid.u32;
	s13 =	simm.s32 $0x14000;
	s14 =	simm.s32 $0x14400  }
0x5: {  	s15 =	simm.s32 $0x80;
	s16 =	simm.s32 $0x14800;
	s17 =	simm.s32 $0x1  }
0x6: {  	s18 =	simm.s32 $0x14080;
	s19 =	simm.s32 $0x14480;
	s20 =	simm.s32 $0x14100  }
0x7: {  	s21 =	simm.s32 $0x14500;
	s28 =	simm.s32 $0x14680;
	s7 =	smul.u32 $0x280, s12  }
0x8: {  	s29 =	simm.s32 $0x14300;
	s30 =	simm.s32 $0x14700;
	s8 =	smul.u32 $0xA00, s12  }
0x9: {  	s31 =	simm.s32 $0x14380;
	s5 =	sand.u32 $0x1, s3;
	s23 =	smul.u32 $0x50000, s12  }
0xa: {  	s3 =	simm.s32 $0x0;
	s4 =	sadd.s32 $0xBA00, s0;
	s11 =	smul.u32 $0x5000, s12  }
0xb: {  	s24 =	sshll.u32 s12, $0x6;
	s12 =	simm.s32 $0x2;
	s6 =	smul.u32 $0x2800, s5  }
0xc: {  	[smem:$0x7FF] =	sst s3;
	s9 =	ssub.s32 $0x2, s5;
	s5 =	smul.u32 $0x50000, s5  }
0xd: {  	_ =	strace $0x8000004A;
	s22 =	sadd.s32 s8, s0;
	s10 =	sshrl.u32 s9, $0x1  }
0xe: {  	s8 =	sshrl.u32 s23, $0x2;
	s23 =	simm.s32 $0x14580;
	s6 =	sadd.s32 s7, s6  }
0xf: {  	s9 =	ssub.s32 s9, s10;
	s8 =	sadd.s32 s8, s2;
	s5 =	sadd.s32 s5, s11  }
0x10: {  	s10 =	sadd.s32 $0x1A00, s22;
	s22 =	simm.s32 $0x14180;
	s6 =	sshll.u32 s6, $0x4  }
0x11: {  	s25 =	smax.u32 s9, $0x1;
	s26 =	sshrl.u32 s5, $0x3;
	s7 =	sshrl.u32 s8, $0x3  }
0x12: {  	s0 =	sadd.s32 s6, s0;
	s6 =	sadd.s32 s4, s6;
	[dreg:$0x7] =	wrdreg s25  }
0x13: {  	s9 =	sadd.s32 s26, s1;
	s25 =	simm.s32 $0x14600;
	[dreg:$0x8] =	wrdreg s7  }
0x14: {  	s26 =	simm.s32 $0x14280;
	[dreg:$0x4] =	wrdreg s6;
	s0 =	sadd.s32 $0x5BA00, s0  }
0x15: {  	s1 =	simm.s32 $0x0;
	s6 =	sor.u32 $0x1C02, s24;
	[dreg:$0x6] =	wrdreg s0  }
0x16: {  	s24 =	simm.s32 $0x14200;
	s0 =	simm.s32 $0x14780;
	[dreg:$0x5] =	wrdreg s6  }
.LBB2_1:
0x17: {  	s5 =	rddreg [dreg:$0x4]  }
0x18: {  	[spmem:s7], [sflag:s6] =	dma.local [hbm:s5], $0x2800  }
0x19: {  	_ =	swait.ge [sflag:s12], $0x2800  }
0x1a: {  	[sflag:s12] =	ssyncset.done $0x0  }
0x1b: {  	[sflag:s12] =	ssyncadd.s32 $0xFFFFD800  }
0x1c: {  	s8 =	sadd.s32 $0x0, s9;
	[bflag:$0x0] =	sbarrier.arrive $0xFFFF  }
0x1d: {  	[tilespmem:s13], [sflag:$0x2] =	stream.linear.gather [hbm4b:s8+s3], $0x400, $0x38;
	[tilespmem:$0x18800] =	vst v63  }
0x1e: {  	_ =	swait.ge [sflag:s12], $0x400  }
0x1f: {  	[sflag:s12] =	ssyncset.done $0x0  }
0x20: {  	s11 =	sadd.s32 $0x0, s10;
	[sflag:s12] =	ssyncadd.s32 $0xFFFFFC00  }
0x21: {  	[tilespmem:s14], [sflag:$0x2] =	stream.linear.gather [hbm4b:s11+s3], $0x400, $0x38;
	[tilespmem:$0x18800] =	vst v63  }
0x22: {  	_ =	swait.ge [sflag:s12], $0x400  }
0x23: {  	[sflag:s12] =	ssyncset.done $0x0  }
0x24: {  	[sflag:s12] =	ssyncadd.s32 $0xFFFFFC00  }
0x25: {  	[tilespmem:s16], [sflag:$0x1] =	stream.indirect.gather [hbm4b:s4+s15], $0x80, s13, s15, $0xb8;
	[tilespmem:$0x18800] =	vst v63  }
0x26: {  	_ =	swait.ge [sflag:s17], $0x4000  }
0x27: {  	[sflag:s17] =	ssyncset.done $0x0  }
0x28: {  	[sflag:s17] =	ssyncadd.s32 $0xFFFFC000  }
0x29: {  	[spmem:s2] =	stream.indirect.scatter.add.f32 [tilespmem:s16], [sflag:$0x2], $0x80, s14, s15, $0xb8;
	[tilespmem:$0x18800] =	vst v63  }
0x2a: {  	_ =	swait.ge [sflag:s12], $0x4000  }
0x2b: {  	[sflag:s12] =	ssyncset.done $0x0  }
0x2c: {  	[sflag:s12] =	ssyncadd.s32 $0xFFFFC000  }
0x2d: {  	[tilespmem:s16], [sflag:$0x1] =	stream.indirect.gather [hbm4b:s4+s15], $0x80, s18, s15, $0xb8;
	[tilespmem:$0x18800] =	vst v63  }
0x2e: {  	_ =	swait.ge [sflag:s17], $0x4000  }
0x2f: {  	[sflag:s17] =	ssyncset.done $0x0  }
0x30: {  	[sflag:s17] =	ssyncadd.s32 $0xFFFFC000  }
0x31: {  	[spmem:s2] =	stream.indirect.scatter.add.f32 [tilespmem:s16], [sflag:$0x2], $0x80, s19, s15, $0xb8;
	[tilespmem:$0x18800] =	vst v63  }
0x32: {  	_ =	swait.ge [sflag:s12], $0x4000  }
0x33: {  	[sflag:s12] =	ssyncset.done $0x0  }
0x34: {  	[sflag:s12] =	ssyncadd.s32 $0xFFFFC000  }
0x35: {  	[tilespmem:s16], [sflag:$0x1] =	stream.indirect.gather [hbm4b:s4+s15], $0x80, s20, s15, $0xb8;
	[tilespmem:$0x18800] =	vst v63  }
0x36: {  	_ =	swait.ge [sflag:s17], $0x4000  }
0x37: {  	[sflag:s17] =	ssyncset.done $0x0  }
0x38: {  	[sflag:s17] =	ssyncadd.s32 $0xFFFFC000  }
0x39: {  	[spmem:s2] =	stream.indirect.scatter.add.f32 [tilespmem:s16], [sflag:$0x2], $0x80, s21, s15, $0xb8;
	[tilespmem:$0x18800] =	vst v63  }
0x3a: {  	_ =	swait.ge [sflag:s12], $0x4000  }
0x3b: {  	[sflag:s12] =	ssyncset.done $0x0  }
0x3c: {  	[sflag:s12] =	ssyncadd.s32 $0xFFFFC000  }
0x3d: {  	[tilespmem:s16], [sflag:$0x1] =	stream.indirect.gather [hbm4b:s4+s15], $0x80, s22, s15, $0xb8;
	[tilespmem:$0x18800] =	vst v63  }
0x3e: {  	_ =	swait.ge [sflag:s17], $0x4000  }
0x3f: {  	[sflag:s17] =	ssyncset.done $0x0  }
0x40: {  	[sflag:s17] =	ssyncadd.s32 $0xFFFFC000  }
0x41: {  	[spmem:s2] =	stream.indirect.scatter.add.f32 [tilespmem:s16], [sflag:$0x2], $0x80, s23, s15, $0xb8;
	[tilespmem:$0x18800] =	vst v63  }
0x42: {  	_ =	swait.ge [sflag:s12], $0x4000  }
0x43: {  	[sflag:s12] =	ssyncset.done $0x0  }
0x44: {  	[sflag:s12] =	ssyncadd.s32 $0xFFFFC000  }
0x45: {  	[tilespmem:s16], [sflag:$0x1] =	stream.indirect.gather [hbm4b:s4+s15], $0x80, s24, s15, $0xb8;
	[tilespmem:$0x18800] =	vst v63  }
0x46: {  	_ =	swait.ge [sflag:s17], $0x4000  }
0x47: {  	[sflag:s17] =	ssyncset.done $0x0  }
0x48: {  	[sflag:s17] =	ssyncadd.s32 $0xFFFFC000  }
0x49: {  	[spmem:s2] =	stream.indirect.scatter.add.f32 [tilespmem:s16], [sflag:$0x2], $0x80, s25, s15, $0xb8;
	[tilespmem:$0x18800] =	vst v63  }
0x4a: {  	_ =	swait.ge [sflag:s12], $0x4000  }
0x4b: {  	[sflag:s12] =	ssyncset.done $0x0  }
0x4c: {  	[sflag:s12] =	ssyncadd.s32 $0xFFFFC000  }
0x4d: {  	[tilespmem:s16], [sflag:$0x1] =	stream.indirect.gather [hbm4b:s4+s15], $0x80, s26, s15, $0xb8;
	[tilespmem:$0x18800] =	vst v63  }
0x4e: {  	_ =	swait.ge [sflag:s17], $0x4000  }
0x4f: {  	[sflag:s17] =	ssyncset.done $0x0  }
0x50: {  	[sflag:s17] =	ssyncadd.s32 $0xFFFFC000  }
0x51: {  	[spmem:s2] =	stream.indirect.scatter.add.f32 [tilespmem:s16], [sflag:$0x2], $0x80, s28, s15, $0xb8;
	[tilespmem:$0x18800] =	vst v63  }
0x52: {  	_ =	swait.ge [sflag:s12], $0x4000  }
0x53: {  	[sflag:s12] =	ssyncset.done $0x0  }
0x54: {  	[sflag:s12] =	ssyncadd.s32 $0xFFFFC000  }
0x55: {  	[tilespmem:s16], [sflag:$0x1] =	stream.indirect.gather [hbm4b:s4+s15], $0x80, s29, s15, $0xb8;
	[tilespmem:$0x18800] =	vst v63  }
0x56: {  	_ =	swait.ge [sflag:s17], $0x4000  }
0x57: {  	[sflag:s17] =	ssyncset.done $0x0  }
0x58: {  	[sflag:s17] =	ssyncadd.s32 $0xFFFFC000  }
0x59: {  	[spmem:s2] =	stream.indirect.scatter.add.f32 [tilespmem:s16], [sflag:$0x2], $0x80, s30, s15, $0xb8;
	[tilespmem:$0x18800] =	vst v63  }
0x5a: {  	_ =	swait.ge [sflag:s12], $0x4000  }
0x5b: {  	[sflag:s12] =	ssyncset.done $0x0  }
0x5c: {  	[sflag:s12] =	ssyncadd.s32 $0xFFFFC000  }
0x5d: {  	[tilespmem:s16], [sflag:$0x1] =	stream.indirect.gather [hbm4b:s4+s15], $0x80, s31, s15, $0xb8;
	[tilespmem:$0x18800] =	vst v63  }
0x5e: {  	_ =	swait.ge [sflag:s17], $0x4000  }
0x5f: {  	[sflag:s17] =	ssyncset.done $0x0  }
0x60: {  	[sflag:s17] =	ssyncadd.s32 $0xFFFFC000  }
0x61: {  	[spmem:s2] =	stream.indirect.scatter.add.f32 [tilespmem:s16], [sflag:$0x2], $0x80, s0, s15, $0xb8;
	[tilespmem:$0x18800] =	vst v63  }
0x62: {  	_ =	swait.ge [sflag:s12], $0x4000  }
0x63: {  	s5 =	simm.s32 $0x80;
	s7 =	simm.s32 $0x100;
	[sflag:s12] =	ssyncset.done $0x0  }
.LBB2_2:
0x64: {  	s6 =	sadd.s32 s5, s9  }
0x65: {  	[sflag:s12] =	ssyncadd.s32 $0xFFFFC000;
	s11 =	smov.u32 s7;
	s8 =	sadd.s32 $0x80, s7  }
0x66: {  	[tilespmem:s13], [sflag:$0x2] =	stream.linear.gather [hbm4b:s6+s3], $0x400, $0x38;
	[tilespmem:$0x18800] =	vst v63  }
0x67: {  	p0 =	sne.s32 s7, $0x980;
	_ =	swait.ge [sflag:s12], $0x400  }
0x68: {  	[sflag:s12] =	ssyncset.done $0x0  }
0x69: {  	s6 =	sadd.s32 s5, s10;
	s5 =	smov.u32 s11;
	[sflag:s12] =	ssyncadd.s32 $0xFFFFFC00  }
0x6a: {  	[tilespmem:s14], [sflag:$0x2] =	stream.linear.gather [hbm4b:s6+s3], $0x400, $0x38;
	[tilespmem:$0x18800] =	vst v63  }
0x6b: {  	_ =	swait.ge [sflag:s12], $0x400  }
0x6c: {  	[sflag:s12] =	ssyncset.done $0x0  }
0x6d: {  	[sflag:s12] =	ssyncadd.s32 $0xFFFFFC00  }
0x6e: {  	[tilespmem:s16], [sflag:$0x1] =	stream.indirect.gather [hbm4b:s4+s15], $0x80, s13, s15, $0xb8;
	[tilespmem:$0x18800] =	vst v63  }
0x6f: {  	_ =	swait.ge [sflag:s17], $0x4000  }
0x70: {  	[sflag:s17] =	ssyncset.done $0x0  }
0x71: {  	[sflag:s17] =	ssyncadd.s32 $0xFFFFC000  }
0x72: {  	[spmem:s2] =	stream.indirect.scatter.add.f32 [tilespmem:s16], [sflag:$0x2], $0x80, s14, s15, $0xb8;
	[tilespmem:$0x18800] =	vst v63  }
0x73: {  	_ =	swait.ge [sflag:s12], $0x4000  }
0x74: {  	[sflag:s12] =	ssyncset.done $0x0  }
0x75: {  	[sflag:s12] =	ssyncadd.s32 $0xFFFFC000  }
0x76: {  	[tilespmem:s16], [sflag:$0x1] =	stream.indirect.gather [hbm4b:s4+s15], $0x80, s18, s15, $0xb8;
	[tilespmem:$0x18800] =	vst v63  }
0x77: {  	_ =	swait.ge [sflag:s17], $0x4000  }
0x78: {  	[sflag:s17] =	ssyncset.done $0x0  }
0x79: {  	[sflag:s17] =	ssyncadd.s32 $0xFFFFC000  }
0x7a: {  	[spmem:s2] =	stream.indirect.scatter.add.f32 [tilespmem:s16], [sflag:$0x2], $0x80, s19, s15, $0xb8;
	[tilespmem:$0x18800] =	vst v63  }
0x7b: {  	_ =	swait.ge [sflag:s12], $0x4000  }
0x7c: {  	[sflag:s12] =	ssyncset.done $0x0  }
0x7d: {  	[sflag:s12] =	ssyncadd.s32 $0xFFFFC000  }
0x7e: {  	[tilespmem:s16], [sflag:$0x1] =	stream.indirect.gather [hbm4b:s4+s15], $0x80, s20, s15, $0xb8;
	[tilespmem:$0x18800] =	vst v63  }
0x7f: {  	_ =	swait.ge [sflag:s17], $0x4000  }
0x80: {  	[sflag:s17] =	ssyncset.done $0x0  }
0x81: {  	[sflag:s17] =	ssyncadd.s32 $0xFFFFC000  }
0x82: {  	[spmem:s2] =	stream.indirect.scatter.add.f32 [tilespmem:s16], [sflag:$0x2], $0x80, s21, s15, $0xb8;
	[tilespmem:$0x18800] =	vst v63  }
0x83: {  	_ =	swait.ge [sflag:s12], $0x4000  }
0x84: {  	[sflag:s12] =	ssyncset.done $0x0  }
0x85: {  	[sflag:s12] =	ssyncadd.s32 $0xFFFFC000  }
0x86: {  	[tilespmem:s16], [sflag:$0x1] =	stream.indirect.gather [hbm4b:s4+s15], $0x80, s22, s15, $0xb8;
	[tilespmem:$0x18800] =	vst v63  }
0x87: {  	_ =	swait.ge [sflag:s17], $0x4000  }
0x88: {  	[sflag:s17] =	ssyncset.done $0x0  }
0x89: {  	[sflag:s17] =	ssyncadd.s32 $0xFFFFC000  }
0x8a: {  	[spmem:s2] =	stream.indirect.scatter.add.f32 [tilespmem:s16], [sflag:$0x2], $0x80, s23, s15, $0xb8;
	[tilespmem:$0x18800] =	vst v63  }
0x8b: {  	_ =	swait.ge [sflag:s12], $0x4000  }
0x8c: {  	[sflag:s12] =	ssyncset.done $0x0  }
0x8d: {  	[sflag:s12] =	ssyncadd.s32 $0xFFFFC000  }
0x8e: {  	[tilespmem:s16], [sflag:$0x1] =	stream.indirect.gather [hbm4b:s4+s15], $0x80, s24, s15, $0xb8;
	[tilespmem:$0x18800] =	vst v63  }
0x8f: {  	_ =	swait.ge [sflag:s17], $0x4000  }
0x90: {  	[sflag:s17] =	ssyncset.done $0x0  }
0x91: {  	[sflag:s17] =	ssyncadd.s32 $0xFFFFC000  }
0x92: {  	[spmem:s2] =	stream.indirect.scatter.add.f32 [tilespmem:s16], [sflag:$0x2], $0x80, s25, s15, $0xb8;
	[tilespmem:$0x18800] =	vst v63  }
0x93: {  	_ =	swait.ge [sflag:s12], $0x4000  }
0x94: {  	[sflag:s12] =	ssyncset.done $0x0  }
0x95: {  	[sflag:s12] =	ssyncadd.s32 $0xFFFFC000  }
0x96: {  	[tilespmem:s16], [sflag:$0x1] =	stream.indirect.gather [hbm4b:s4+s15], $0x80, s26, s15, $0xb8;
	[tilespmem:$0x18800] =	vst v63  }
0x97: {  	_ =	swait.ge [sflag:s17], $0x4000  }
0x98: {  	[sflag:s17] =	ssyncset.done $0x0  }
0x99: {  	[sflag:s17] =	ssyncadd.s32 $0xFFFFC000  }
0x9a: {  	[spmem:s2] =	stream.indirect.scatter.add.f32 [tilespmem:s16], [sflag:$0x2], $0x80, s28, s15, $0xb8;
	[tilespmem:$0x18800] =	vst v63  }
0x9b: {  	_ =	swait.ge [sflag:s12], $0x4000  }
0x9c: {  	[sflag:s12] =	ssyncset.done $0x0  }
0x9d: {  	[sflag:s12] =	ssyncadd.s32 $0xFFFFC000  }
0x9e: {  	[tilespmem:s16], [sflag:$0x1] =	stream.indirect.gather [hbm4b:s4+s15], $0x80, s29, s15, $0xb8;
	[tilespmem:$0x18800] =	vst v63  }
0x9f: {  	_ =	swait.ge [sflag:s17], $0x4000  }
0xa0: {  	[sflag:s17] =	ssyncset.done $0x0  }
0xa1: {  	[sflag:s17] =	ssyncadd.s32 $0xFFFFC000  }
0xa2: {  	[spmem:s2] =	stream.indirect.scatter.add.f32 [tilespmem:s16], [sflag:$0x2], $0x80, s30, s15, $0xb8;
	[tilespmem:$0x18800] =	vst v63  }
0xa3: {  	_ =	swait.ge [sflag:s12], $0x4000  }
0xa4: {  	[sflag:s12] =	ssyncset.done $0x0  }
0xa5: {  	[sflag:s12] =	ssyncadd.s32 $0xFFFFC000  }
0xa6: {  	[tilespmem:s16], [sflag:$0x1] =	stream.indirect.gather [hbm4b:s4+s15], $0x80, s31, s15, $0xb8;
	[tilespmem:$0x18800] =	vst v63  }
0xa7: {  	_ =	swait.ge [sflag:s17], $0x4000  }
.Ltmp0:
0xa8: {  	[sflag:s17] =	ssyncset.done $0x0;
	(pc) =	sbr.rel @p0 .LBB2_2-.Ltmp0, $4  }
0xa9: {  	[sflag:s17] =	ssyncadd.s32 $0xFFFFC000  }
0xaa: {  	[spmem:s2] =	stream.indirect.scatter.add.f32 [tilespmem:s16], [sflag:$0x2], $0x80, s0, s15, $0xb8;
	[tilespmem:$0x18800] =	vst v63  }
0xab: {  	_ =	swait.ge [sflag:s12], $0x4000  }
0xac: {  	s7 =	smov.u32 s8;
	[sflag:s12] =	ssyncset.done $0x0  }
0xad: {  	s6 =	sadd.s32 s5, s9;
	[sflag:s12] =	ssyncadd.s32 $0xFFFFC000  }
0xae: {  	[tilespmem:s13], [sflag:$0x2] =	stream.linear.gather [hbm4b:s6+s3], $0x400, $0x38;
	[tilespmem:$0x18800] =	vst v63  }
0xaf: {  	_ =	swait.ge [sflag:s12], $0x400  }
0xb0: {  	[sflag:s12] =	ssyncset.done $0x0  }
0xb1: {  	s7 =	sadd.s32 s5, s10;
	[sflag:s12] =	ssyncadd.s32 $0xFFFFFC00  }
0xb2: {  	[tilespmem:s14], [sflag:$0x2] =	stream.linear.gather [hbm4b:s7+s3], $0x400, $0x38;
	[tilespmem:$0x18800] =	vst v63  }
0xb3: {  	_ =	swait.ge [sflag:s12], $0x400  }
0xb4: {  	[sflag:s12] =	ssyncset.done $0x0  }
0xb5: {  	[sflag:s12] =	ssyncadd.s32 $0xFFFFFC00  }
0xb6: {  	[tilespmem:s16], [sflag:$0x1] =	stream.indirect.gather [hbm4b:s4+s15], $0x80, s13, s15, $0xb8;
	[tilespmem:$0x18800] =	vst v63  }
0xb7: {  	_ =	swait.ge [sflag:s17], $0x4000  }
0xb8: {  	[sflag:s17] =	ssyncset.done $0x0  }
0xb9: {  	[sflag:s17] =	ssyncadd.s32 $0xFFFFC000  }
0xba: {  	[spmem:s2] =	stream.indirect.scatter.add.f32 [tilespmem:s16], [sflag:$0x2], $0x80, s14, s15, $0xb8;
	[tilespmem:$0x18800] =	vst v63  }
0xbb: {  	_ =	swait.ge [sflag:s12], $0x4000  }
0xbc: {  	[sflag:s12] =	ssyncset.done $0x0  }
0xbd: {  	[sflag:s12] =	ssyncadd.s32 $0xFFFFC000  }
0xbe: {  	[tilespmem:s16], [sflag:$0x1] =	stream.indirect.gather [hbm4b:s4+s15], $0x80, s18, s15, $0xb8;
	[tilespmem:$0x18800] =	vst v63  }
0xbf: {  	_ =	swait.ge [sflag:s17], $0x4000  }
0xc0: {  	[sflag:s17] =	ssyncset.done $0x0  }
0xc1: {  	[sflag:s17] =	ssyncadd.s32 $0xFFFFC000  }
0xc2: {  	[spmem:s2] =	stream.indirect.scatter.add.f32 [tilespmem:s16], [sflag:$0x2], $0x80, s19, s15, $0xb8;
	[tilespmem:$0x18800] =	vst v63  }
0xc3: {  	_ =	swait.ge [sflag:s12], $0x4000  }
0xc4: {  	[sflag:s12] =	ssyncset.done $0x0  }
0xc5: {  	[sflag:s12] =	ssyncadd.s32 $0xFFFFC000  }
0xc6: {  	[tilespmem:s16], [sflag:$0x1] =	stream.indirect.gather [hbm4b:s4+s15], $0x80, s20, s15, $0xb8;
	[tilespmem:$0x18800] =	vst v63  }
0xc7: {  	_ =	swait.ge [sflag:s17], $0x4000  }
0xc8: {  	[sflag:s17] =	ssyncset.done $0x0  }
0xc9: {  	[sflag:s17] =	ssyncadd.s32 $0xFFFFC000  }
0xca: {  	[spmem:s2] =	stream.indirect.scatter.add.f32 [tilespmem:s16], [sflag:$0x2], $0x80, s21, s15, $0xb8;
	[tilespmem:$0x18800] =	vst v63  }
0xcb: {  	_ =	swait.ge [sflag:s12], $0x4000  }
0xcc: {  	[sflag:s12] =	ssyncset.done $0x0  }
0xcd: {  	[sflag:s12] =	ssyncadd.s32 $0xFFFFC000  }
0xce: {  	[tilespmem:s16], [sflag:$0x1] =	stream.indirect.gather [hbm4b:s4+s15], $0x80, s22, s15, $0xb8;
	[tilespmem:$0x18800] =	vst v63  }
0xcf: {  	_ =	swait.ge [sflag:s17], $0x4000  }
0xd0: {  	[sflag:s17] =	ssyncset.done $0x0  }
0xd1: {  	[sflag:s17] =	ssyncadd.s32 $0xFFFFC000  }
0xd2: {  	[spmem:s2] =	stream.indirect.scatter.add.f32 [tilespmem:s16], [sflag:$0x2], $0x80, s23, s15, $0xb8;
	[tilespmem:$0x18800] =	vst v63  }
0xd3: {  	_ =	swait.ge [sflag:s12], $0x4000  }
0xd4: {  	[sflag:s12] =	ssyncset.done $0x0  }
0xd5: {  	[sflag:s12] =	ssyncadd.s32 $0xFFFFC000  }
0xd6: {  	[tilespmem:s16], [sflag:$0x1] =	stream.indirect.gather [hbm4b:s4+s15], $0x80, s24, s15, $0xb8;
	[tilespmem:$0x18800] =	vst v63  }
0xd7: {  	_ =	swait.ge [sflag:s17], $0x4000  }
0xd8: {  	[sflag:s17] =	ssyncset.done $0x0  }
0xd9: {  	[sflag:s17] =	ssyncadd.s32 $0xFFFFC000  }
0xda: {  	[spmem:s2] =	stream.indirect.scatter.add.f32 [tilespmem:s16], [sflag:$0x2], $0x80, s25, s15, $0xb8;
	[tilespmem:$0x18800] =	vst v63  }
0xdb: {  	_ =	swait.ge [sflag:s12], $0x4000  }
0xdc: {  	[sflag:s12] =	ssyncset.done $0x0  }
0xdd: {  	[sflag:s12] =	ssyncadd.s32 $0xFFFFC000  }
0xde: {  	[tilespmem:s16], [sflag:$0x1] =	stream.indirect.gather [hbm4b:s4+s15], $0x80, s26, s15, $0xb8;
	[tilespmem:$0x18800] =	vst v63  }
0xdf: {  	_ =	swait.ge [sflag:s17], $0x4000  }
0xe0: {  	[sflag:s17] =	ssyncset.done $0x0  }
0xe1: {  	[sflag:s17] =	ssyncadd.s32 $0xFFFFC000  }
0xe2: {  	[spmem:s2] =	stream.indirect.scatter.add.f32 [tilespmem:s16], [sflag:$0x2], $0x80, s28, s15, $0xb8;
	[tilespmem:$0x18800] =	vst v63  }
0xe3: {  	_ =	swait.ge [sflag:s12], $0x4000  }
0xe4: {  	[sflag:s12] =	ssyncset.done $0x0  }
0xe5: {  	[sflag:s12] =	ssyncadd.s32 $0xFFFFC000  }
0xe6: {  	[tilespmem:s16], [sflag:$0x1] =	stream.indirect.gather [hbm4b:s4+s15], $0x80, s29, s15, $0xb8;
	[tilespmem:$0x18800] =	vst v63  }
0xe7: {  	_ =	swait.ge [sflag:s17], $0x4000  }
0xe8: {  	[sflag:s17] =	ssyncset.done $0x0  }
0xe9: {  	[sflag:s17] =	ssyncadd.s32 $0xFFFFC000  }
0xea: {  	[spmem:s2] =	stream.indirect.scatter.add.f32 [tilespmem:s16], [sflag:$0x2], $0x80, s30, s15, $0xb8;
	[tilespmem:$0x18800] =	vst v63  }
0xeb: {  	_ =	swait.ge [sflag:s12], $0x4000  }
0xec: {  	[sflag:s12] =	ssyncset.done $0x0  }
0xed: {  	[sflag:s12] =	ssyncadd.s32 $0xFFFFC000  }
0xee: {  	[tilespmem:s16], [sflag:$0x1] =	stream.indirect.gather [hbm4b:s4+s15], $0x80, s31, s15, $0xb8;
	[tilespmem:$0x18800] =	vst v63  }
0xef: {  	_ =	swait.ge [sflag:s17], $0x4000  }
0xf0: {  	[sflag:s17] =	ssyncset.done $0x0  }
0xf1: {  	[sflag:s17] =	ssyncadd.s32 $0xFFFFC000  }
0xf2: {  	[spmem:s2] =	stream.indirect.scatter.add.f32 [tilespmem:s16], [sflag:$0x2], $0x80, s0, s15, $0xb8;
	[tilespmem:$0x18800] =	vst v63  }
0xf3: {  	_ =	swait.ge [sflag:s12], $0x4000  }
0xf4: {  	[sflag:s12] =	ssyncset.done $0x0  }
0xf5: {  	[sflag:s12] =	ssyncadd.s32 $0xFFFFC000  }
0xf6: {  	[bflag:$0x0] =	sbarrier.arrive $0xFFFF  }
0xf7: {  	s6 =	rddreg [dreg:$0x5]  }
0xf8: {  	s8 =	rddreg [dreg:$0x6]  }
0xf9: {  	s7 =	rddreg [dreg:$0x8]  }
0xfa: {  	[hbm:s8], [sflag:s6] =	dma.local [spmem:s7], $0x2800  }
0xfb: {  	_ =	swait.ge [sflag:s12], $0x2800  }
0xfc: {  	s1 =	sadd.s32 $0x1, s1;
	s11 =	rddreg [dreg:$0x7]  }
0xfd: {  	p0 =	sne.s32 s1, s11  }
.Ltmp1:
0xfe: {  	_ = 	snop;
	(pc) =	sbr.rel @p0 .LBB2_1-.Ltmp1, $3  }
0xff: {  	_ =	sdelay $0x1  }
0x100: {  	[sflag:s12] =	ssyncset.done $0x0  }
0x101: {  	[sflag:s12] =	ssyncadd.s32 $0xFFFFD800  }
0x102: {  	_ =	sfence.sel $0x180000  }
0x103: {  	[bflag:$0x0] =	sbarrier.arrive $0xFFFF  }
0x104: {  	_ =	strace $0x9000004A  }
0x105: {  	s0 =	stileid.u32;
	[bflag:$0x2] =	sbarrier.arrive $0xFFFF  }
0x106: {  	p0 =	sne.s32 s0, $0x0;
	s0 =	rddreg [dreg:$0x3]  }
0x107: {  	s0 =	sadd.s32 @!p0 $0x100000, s0  }
0x108: {  	[sflag:s0] =	ssyncadd.tile.s32 @!p0 $0x1;
	_ =	shalt  }
.Lfunc_end2:
_tile_overlayer_lowered:
.L_overlay_start_2:
0x109: {  	(tag) =	ssettag $0x2  }
0x10a: {  	s0 =	rddreg [dreg:$0x0];
	s2 =	stileid.u32  }
0x10b: {  	s1 =	rddreg [dreg:$0x1];
	p0 =	sne.s32 s2, $0x0  }
0x10c: {  	s3 =	rddreg [dreg:$0x2];
	[bflag:$0x3] =	sbarrier.arrive $0xFFFF;
	s2 =	simm.s32 @!p0 $0x1C02  }
0x10d: {  	[timem:s3], [sflag:s2] =	dma.local @!p0 [hbm:s0], s1  }
0x10e: {  	s0 =	simm.s32 @!p0 $0x2  }
0x10f: {  	_ =	swait.ge @!p0 [sflag:s0], s1  }
0x110: {  	s1 =	ssub.s32 @!p0 $0x0, s1;
	[sflag:s0] =	ssyncset.done @!p0 $0x0  }
0x111: {  	[sflag:s0] =	ssyncadd.s32 @!p0 s1  }
0x112: {  	[bflag:$0x3] =	sbarrier.arrive $0xFFFF  }
0x113: {  	_ =	shalt  }

// kernel: kernel.14.cloned.1.call-start
scs
__scs_entry_jumppad:
0x0: {  	(pc) =	sbr.rel $0x88, $3  }
0x1: {  	(tag) =	ssettag $0x0;
	lr =	simm.s32 $0x1  }
0x2: {  	[smem:$0x3F9B] =	sst lr;
	_ =	strace $0xD0000000  }
0x3: {  	_ = 	snop  }
0x4: {  	_ = 	snop  }
0x5: {  	_ = 	snop  }
0x6: {  	_ = 	snop  }
0x7: {  	_ = 	snop  }
__scs_overlays_trampoline_lowered:
0x8: {  	[smem:$0x3FAA] =	sst s0  }
0x9: {  	[smem:$0x3FAB] =	sst s1  }
0xa: {  	[smem:$0x3FAC] =	sst s2  }
0xb: {  	[smem:$0x3FAD] =	sst s3  }
0xc: {  	[smem:$0x3FAE] =	sst s4  }
0xd: {  	[smem:$0x3FAF] =	sst s5  }
0xe: {  	[smem:$0x3FB0] =	sst s6  }
0xf: {  	[smem:$0x3FB1] =	sst s7  }
0x10: {  	[smem:$0x3FB2] =	sst s8  }
0x11: {  	[smem:$0x3FB3] =	sst s9;
	s0 =	simm.s32 @!p0 $0x0  }
0x12: {  	s1 =	sld [smem:$0x3F99];
	s0 =	simm.s32 @p0 $0x1  }
0x13: {  	[smem:$0x3FB4] =	sst s0;
	s0 =	simm.s32 @!p1 $0x0  }
0x14: {  	s2 =	sld [smem:$0x3F98];
	s0 =	simm.s32 @p1 $0x1  }
0x15: {  	[smem:$0x3FB5] =	sst s0;
	s0 =	simm.s32 @!p2 $0x0  }
0x16: {  	s3 =	sld [smem:$0x3FDB];
	s0 =	simm.s32 @p2 $0x1  }
0x17: {  	s4 =	simm.s32 $0x1BF5;
	[smem:$0x3FB7] =	sst s0  }
0x18: {  	s0 =	sld [smem:$0x3F9A];
	_ =	swait.ge [sflag:s4], $0x0  }
0x19: {  	s7 =	sld [smem:$0x3F9B]  }
0x1a: {  	s8 =	sadd.s32 $0xFFFFE003, lr  }
0x1b: {  	s9 =	sadd.s32 $0xFFFFFEF7, lr;
	s5 =	simm.s32 $0xFFFFFFFF;
	p2 =	slt.u32 s8, $0xFFFFF086  }
0x1c: {  	p1 =	slt.u32 s9, $0xF7A;
	s5 =	simm.s32 @!p2 $0x0  }
0x1d: {  	s5 =	simm.s32 @p1 $0x1;
	p0 =	seq.s32 s7, s2  }
0x1e: {  	s7 =	smul.u32 @!p0 $0xF7A, s2;
	p2 =	seq.s32 @!p0 s5, $0x0  }
0x1f: {  	s9 =	smul.u32 $0xF7A, s1;
	s8 =	simm.s32 @!p0 $0x1BF5;
	p2 =	por !p2, p0  }
0x20: {  	[sflag:s8] =	ssyncset.s32 @!p0 $0xFFFFF086;
	s6 =	sadd.s32 @!p0 s3, s7;
	s7 =	simm.s32 @!p0 $0x108  }
0x21: {  	s3 =	sadd.s32 s3, s9;
	s6 =	sadd.s32 @!p0 $0x88, s6;
	s7 =	simm.s32 @p2 $0x1082  }
0x22: {  	[simem:s7], [sflag:s8] =	dma.local @!p0 [hbm:s6], $0xF7A  }
0x23: {  	s9 =	sor.u32 $0xD0000000, s2;
	s6 =	simm.s32 $0x108;
	_ =	swait.ge @!p0 [sflag:s8], $0x0  }
0x24: {  	s3 =	sadd.s32 $0x88, s3;
	s6 =	simm.s32 @!p1 $0x1082;
	[sflag:s4] =	ssyncset.s32 $0xFFFFF086  }
0x25: {  	[simem:s6], [sflag:s4] =	dma.local [hbm:s3], $0xF7A  }
0x26: {  	[smem:$0x3F9B] =	sst s1;
	(tag) =	ssettag s2;
	_ =	strace s9  }
0x27: {  	s1 =	sld [smem:$0x3FAB]  }
0x28: {  	s2 =	sld [smem:$0x3FAC]  }
0x29: {  	s4 =	sld [smem:$0x3FAE]  }
0x2a: {  	p0 =	seq.s32 s5, $0x0;
	s5 =	sld [smem:$0x3FAF]  }
0x2b: {  	s6 =	sld [smem:$0x3FB0]  }
0x2c: {  	s7 =	sld [smem:$0x3FB1]  }
0x2d: {  	s3 =	simm.s32 $0x108;
	s8 =	sld [smem:$0x3FB2]  }
0x2e: {  	s3 =	simm.s32 @!p0 $0x1082;
	s9 =	sld [smem:$0x3FB3]  }
0x2f: {  	lr =	sadd.s32 s0, s3;
	s0 =	sld [smem:$0x3FAA]  }
0x30: {  	s3 =	sld [smem:$0x3FAD]  }
0x31: {  	[smem:$0x3FB6] =	sst s10  }
0x32: {  	s10 =	sld [smem:$0x3FB4];
	_ =	sdelay $0x3  }
0x33: {  	p0 =	seq.s32 s10, $0x1;
	s10 =	sld [smem:$0x3FB6];
	_ =	sdelay $0x3  }
0x34: {  	[smem:$0x3FB6] =	sst s10  }
0x35: {  	s10 =	sld [smem:$0x3FB5];
	_ =	sdelay $0x3  }
0x36: {  	p1 =	seq.s32 s10, $0x1;
	s10 =	sld [smem:$0x3FB6];
	_ =	sdelay $0x3  }
0x37: {  	[smem:$0x3FB6] =	sst s10  }
0x38: {  	s10 =	sld [smem:$0x3FB7]  }
0x39: {  	_ = 	snop;
	(pc) =	sbr.ind lr, $3  }
0x3a: {  	_ = 	snop  }
0x3b: {  	_ = 	snop  }
0x3c: {  	p2 =	seq.s32 s10, $0x1;
	s10 =	sld [smem:$0x3FB6]  }
0x3d: {  	_ =	shalt  }
0x3e: {  	_ =	shalt  }
0x3f: {  	_ =	shalt  }
0x40: {  	_ =	shalt  }
0x41: {  	_ =	shalt  }
0x42: {  	_ =	shalt  }
0x43: {  	_ =	shalt  }
0x44: {  	_ =	shalt  }
0x45: {  	_ =	shalt  }
0x46: {  	_ =	shalt  }
0x47: {  	_ =	shalt  }
0x48: {  	_ =	shalt  }
0x49: {  	_ =	shalt  }
0x4a: {  	_ =	shalt  }
0x4b: {  	_ =	shalt  }
0x4c: {  	_ =	shalt  }
0x4d: {  	_ =	shalt  }
0x4e: {  	_ =	shalt  }
0x4f: {  	_ =	shalt  }
0x50: {  	_ =	shalt  }
0x51: {  	_ =	shalt  }
0x52: {  	_ =	shalt  }
0x53: {  	_ =	shalt  }
0x54: {  	_ =	shalt  }
0x55: {  	_ =	shalt  }
0x56: {  	_ =	shalt  }
0x57: {  	_ =	shalt  }
0x58: {  	_ =	shalt  }
0x59: {  	_ =	shalt  }
0x5a: {  	_ =	shalt  }
0x5b: {  	_ =	shalt  }
0x5c: {  	_ =	shalt  }
0x5d: {  	_ =	shalt  }
0x5e: {  	_ =	shalt  }
0x5f: {  	_ =	shalt  }
0x60: {  	_ =	shalt  }
0x61: {  	_ =	shalt  }
0x62: {  	_ =	shalt  }
0x63: {  	_ =	shalt  }
0x64: {  	_ =	shalt  }
0x65: {  	_ =	shalt  }
0x66: {  	_ =	shalt  }
0x67: {  	_ =	shalt  }
0x68: {  	_ =	shalt  }
0x69: {  	_ =	shalt  }
0x6a: {  	_ =	shalt  }
0x6b: {  	_ =	shalt  }
0x6c: {  	_ =	shalt  }
0x6d: {  	_ =	shalt  }
0x6e: {  	_ =	shalt  }
0x6f: {  	_ =	shalt  }
0x70: {  	_ =	shalt  }
0x71: {  	_ =	shalt  }
0x72: {  	_ =	shalt  }
0x73: {  	_ =	shalt  }
0x74: {  	_ =	shalt  }
0x75: {  	_ =	shalt  }
0x76: {  	_ =	shalt  }
0x77: {  	_ =	shalt  }
0x78: {  	_ =	shalt  }
0x79: {  	_ =	shalt  }
0x7a: {  	_ =	shalt  }
0x7b: {  	_ =	shalt  }
0x7c: {  	_ =	shalt  }
0x7d: {  	_ =	shalt  }
0x7e: {  	_ =	shalt  }
0x7f: {  	_ =	shalt  }
0x80: {  	_ =	shalt  }
0x81: {  	_ =	shalt  }
0x82: {  	_ =	shalt  }
0x83: {  	_ =	shalt  }
0x84: {  	_ =	shalt  }
0x85: {  	_ =	shalt  }
0x86: {  	_ =	shalt  }
0x87: {  	_ =	shalt  }
.Lfunc_end0:
.L_simem_size_0:
called_computation.2_lowered:
.L_overlay_start_0:
0x88: {  	s2 =	sld [smem:$0x3FD9]  }
0x89: {  	s3 =	sld [smem:$0x3FFE];
	_ =	sdelay $0x1  }
0x8a: {  	s1 =	srdreg.scid  }
0x8b: {  	s0 =	sand.u32 $0x1, s1  }
0x8c: {  	s17 =	sshll.u32 s0, $0xA;
	s2 =	sadd.s32 s3, s2  }
0x8d: {  	s2 =	sadd.s32 s2, s17  }
0x8e: {  	[smem:$0x3FC2] =	sst s2  }
0x8f: {  	_ = 	snop  }
0x90: {  	s2 =	sld [smem:$0x3FD0];
	(tm) =	ssettm $0x1  }
0x91: {  	s18 =	sld [smem:$0x3FFB];
	_ =	sdelay $0x3  }
0x92: {  	_ =	strace s18  }
0x93: {  	s3 =	sld [smem:$0x3FFC];
	_ =	sdelay $0x3  }
0x94: {  	_ =	strace s3  }
0x95: {  	s3 =	sld [smem:$0x3FFD];
	_ =	sdelay $0x3  }
0x96: {  	_ =	strace s3  }
0x97: {  	_ =	strace $0x8FFFFFFF  }
0x98: {  	s19 =	sld [smem:$0x3FDB];
	_ =	sdelay $0x1  }
0x99: {  	s4 =	simm.s32 $_scs_section_size  }
0x9a: {  	s5 =	simm.s32 $_size__tile_overlayer_lowered;
	s6 =	simm.s32 $_tile_overlayer_lowered  }
0x9b: {  	s22 =	simm.s32 $0x1BFF;
	s21 =	sshll.u32 s6, $0x1;
	s3 =	sadd.s32 s4, s19  }
0x9c: {  	s7 =	simm.s32 $0x0;
	s20 =	sshll.u32 s5, $0x1;
	s5 =	sadd.s32 s21, s3  }
0x9d: {  	[timem:s7], [sflag:s22] =	dma.local [hbm:s5], s20  }
0x9e: {  	_ =	swait.ge [sflag:s22], s20  }
0x9f: {  	s4 =	ssub.s32 $0x0, s20;
	[sflag:s22] =	ssyncset.done $0x0  }
0xa0: {  	[sflag:s22] =	ssyncadd.s32 s4;
	_ =	sdelay $0x1  }
0xa1: {  	s23 =	simm.s32 $0x1B8B  }
0xa2: {  	_ =	swait.ge [sflag:s23], $0x1  }
0xa3: {  	[sflag:s23] =	ssyncset.done $0x0  }
0xa4: {  	s25 =	simm.s32 $0x1B8E;
	s24 =	sld [smem:$0x3FFE];
	[sflag:s23] =	ssyncadd.s32 $0xFFFFFFFF  }
0xa5: {  	s26 =	simm.s32 $execute0_lowered;
	[smem:$0x3FD2] =	sst s25  }
0xa6: {  	s5 =	sshll.u32 s26, $0x1;
	_ =	strace $0x8000004C;
	[dreg:$0x1] =	wrdreg $0xFFFFFFFF  }
0xa7: {  	s28 =	simm.s32 $_size_execute0_lowered;
	s3 =	sadd.s32 s3, s5;
	[dreg:$0x0] =	wrdreg $0x0  }
0xa8: {  	s5 =	sshll.u32 s28, $0x1;
	[dreg:$0x2] =	wrdreg s3  }
0xa9: {  	[dreg:$0x3] =	wrdreg s5  }
0xaa: {  	[dreg:$0x4] =	wrdreg $0xC0  }
0xab: {  	_ =	task [dreg:s7], $0x5FFFF  }
0xac: {  	[dreg:$0x1] =	wrdreg $0xFFFFFFFF  }
0xad: {  	[dreg:$0x0] =	wrdreg $0x60  }
0xae: {  	[dreg:$0x2] =	wrdreg s24  }
0xaf: {  	[dreg:$0x3] =	wrdreg s2  }
0xb0: {  	[dreg:$0x4] =	wrdreg $0x0  }
0xb1: {  	[dreg:$0x5] =	wrdreg $0x9  }
0xb2: {  	_ =	task.clear_ibuf [dreg:s7], $0x6FFFF;
	_ =	strace $0x9000004C  }
0xb3: {  	s29 =	simm.s32 $0x9;
	_ =	strace $0x8000004E  }
0xb4: {  	_ =	swait.ge [sflag:s29], $0x1  }
0xb5: {  	[sflag:s29] =	ssyncadd.s32 $0xFFFFFFFF  }
0xb6: {  	_ =	strace $0x9000004E  }
0xb7: {  	_ =	sfence  }
0xb8: {  	s30 =	sld [smem:$0x0];
	_ =	sdelay $0x2  }
0xb9: {  	s31 =	sshll.u32 s1, $0xD;
	s1 =	sshrl.u32 s1, $0x2  }
0xba: {  	s3 =	sand.u32 $0x4000, s31;
	s1 =	sadd.s32 s1, s30  }
0xbb: {  	s0 =	sor.u32 s3, s0;
	s1 =	sshll.u32 s1, $0x11  }
0xbc: {  	s0 =	sor.u32 s1, s0  }
0xbd: {  	s0 =	sadd.s32 $0x8F2B, s0  }
0xbe: {  	[sflag:s0] =	ssyncadd.remote.s32 $0x1  }
0xbf: {  	_ =	sfence.sel $0xFFFF  }
0xc0: {  	[dreg:$0x0] =	wrdreg $0xFFFFFFFF;
	(pc) =	sbr.abs _section_cstart, $3  }
0xc1: {  	[dreg:$0x1] =	wrdreg $0xFFFFFFFF  }
0xc2: {  	_ =	task.clear_ibuf [dreg:s7], $0x2FFFF;
	_ =	strace $0x9FFFFFFF  }
0xc3: {  	(tm) =	ssettm $0x7FFFFFFF  }
tec
execute0_lowered:
.L_overlay_start_1:
0x0: {  	(tag) =	ssettag $0x1  }
0x1: {  	s0 =	rddreg [dreg:$0x0]  }
0x2: {  	s1 =	rddreg [dreg:$0x1]  }
0x3: {  	s3 =	srdreg.scid;
	s2 =	rddreg [dreg:$0x2]  }
0x4: {  	s12 =	stileid.u32;
	s13 =	simm.s32 $0xA000;
	s14 =	simm.s32 $0xA400  }
0x5: {  	s15 =	simm.s32 $0x80;
	s16 =	simm.s32 $0xA800;
	s17 =	simm.s32 $0x1  }
0x6: {  	s18 =	simm.s32 $0xA080;
	s19 =	simm.s32 $0xA480;
	s20 =	simm.s32 $0xA100  }
0x7: {  	s21 =	simm.s32 $0xA500;
	s28 =	simm.s32 $0xA680;
	s7 =	smul.u32 $0x280, s12  }
0x8: {  	s29 =	simm.s32 $0xA300;
	s30 =	simm.s32 $0xA700;
	s8 =	smul.u32 $0xA00, s12  }
0x9: {  	s31 =	simm.s32 $0xA380;
	s5 =	sand.u32 $0x1, s3;
	s23 =	smul.u32 $0x28000, s12  }
0xa: {  	s3 =	simm.s32 $0x0;
	s4 =	sadd.s32 $0xBA00, s0;
	s11 =	smul.u32 $0x5000, s12  }
0xb: {  	s24 =	sshll.u32 s12, $0x6;
	s12 =	simm.s32 $0x2;
	s6 =	smul.u32 $0x2800, s5  }
0xc: {  	[smem:$0x7FF] =	sst s3;
	s9 =	ssub.s32 $0x2, s5;
	s5 =	smul.u32 $0x50000, s5  }
0xd: {  	_ =	strace $0x8000004D;
	s22 =	sadd.s32 s8, s0;
	s10 =	sshrl.u32 s9, $0x1  }
0xe: {  	s8 =	sshrl.u32 s23, $0x2;
	s23 =	simm.s32 $0xA580;
	s6 =	sadd.s32 s7, s6  }
0xf: {  	s9 =	ssub.s32 s9, s10;
	s8 =	sadd.s32 s8, s2;
	s5 =	sadd.s32 s5, s11  }
0x10: {  	s10 =	sadd.s32 $0x1A00, s22;
	s22 =	simm.s32 $0xA180;
	s6 =	sshll.u32 s6, $0x3  }
0x11: {  	s25 =	smax.u32 s9, $0x1;
	s26 =	sshrl.u32 s5, $0x3;
	s7 =	sshrl.u32 s8, $0x3  }
0x12: {  	s0 =	sadd.s32 s6, s0;
	s6 =	sadd.s32 s4, s6;
	[dreg:$0x7] =	wrdreg s25  }
0x13: {  	s9 =	sadd.s32 s26, s1;
	s25 =	simm.s32 $0xA600;
	[dreg:$0x8] =	wrdreg s7  }
0x14: {  	s26 =	simm.s32 $0xA280;
	[dreg:$0x4] =	wrdreg s6;
	s0 =	sadd.s32 $0x33A00, s0  }
0x15: {  	s1 =	simm.s32 $0x0;
	s6 =	sor.u32 $0x1C02, s24;
	[dreg:$0x6] =	wrdreg s0  }
0x16: {  	s24 =	simm.s32 $0xA200;
	s0 =	simm.s32 $0xA780;
	[dreg:$0x5] =	wrdreg s6  }
.LBB2_1:
0x17: {  	s5 =	rddreg [dreg:$0x4]  }
0x18: {  	[spmem:s7], [sflag:s6] =	dma.local [hbm:s5], $0x1400  }
0x19: {  	_ =	swait.ge [sflag:s12], $0x1400  }
0x1a: {  	[sflag:s12] =	ssyncset.done $0x0  }
0x1b: {  	[sflag:s12] =	ssyncadd.s32 $0xFFFFEC00  }
0x1c: {  	s8 =	sadd.s32 $0x0, s9;
	[bflag:$0x0] =	sbarrier.arrive $0xFFFF  }
0x1d: {  	[tilespmem:s13], [sflag:$0x2] =	stream.linear.gather [hbm4b:s8+s3], $0x400, $0x38;
	[tilespmem:$0xC800] =	vst v63  }
0x1e: {  	_ =	swait.ge [sflag:s12], $0x400  }
0x1f: {  	[sflag:s12] =	ssyncset.done $0x0  }
0x20: {  	s11 =	sadd.s32 $0x0, s10;
	[sflag:s12] =	ssyncadd.s32 $0xFFFFFC00  }
0x21: {  	[tilespmem:s14], [sflag:$0x2] =	stream.linear.gather [hbm4b:s11+s3], $0x400, $0x38;
	[tilespmem:$0xC800] =	vst v63  }
0x22: {  	_ =	swait.ge [sflag:s12], $0x400  }
0x23: {  	[sflag:s12] =	ssyncset.done $0x0  }
0x24: {  	[sflag:s12] =	ssyncadd.s32 $0xFFFFFC00  }
0x25: {  	[tilespmem:s16], [sflag:$0x1] =	stream.indirect.gather [hbm4b:s4+s15], $0x40, s13, s15, $0xb8;
	[tilespmem:$0xC800] =	vst v63  }
0x26: {  	_ =	swait.ge [sflag:s17], $0x2000  }
0x27: {  	[sflag:s17] =	ssyncset.done $0x0  }
0x28: {  	[sflag:s17] =	ssyncadd.s32 $0xFFFFE000  }
0x29: {  	[spmem:s2] =	stream.indirect.scatter.add.f32 [tilespmem:s16], [sflag:$0x2], $0x40, s14, s15, $0xb8;
	[tilespmem:$0xC800] =	vst v63  }
0x2a: {  	_ =	swait.ge [sflag:s12], $0x2000  }
0x2b: {  	[sflag:s12] =	ssyncset.done $0x0  }
0x2c: {  	[sflag:s12] =	ssyncadd.s32 $0xFFFFE000  }
0x2d: {  	[tilespmem:s16], [sflag:$0x1] =	stream.indirect.gather [hbm4b:s4+s15], $0x40, s18, s15, $0xb8;
	[tilespmem:$0xC800] =	vst v63  }
0x2e: {  	_ =	swait.ge [sflag:s17], $0x2000  }
0x2f: {  	[sflag:s17] =	ssyncset.done $0x0  }
0x30: {  	[sflag:s17] =	ssyncadd.s32 $0xFFFFE000  }
0x31: {  	[spmem:s2] =	stream.indirect.scatter.add.f32 [tilespmem:s16], [sflag:$0x2], $0x40, s19, s15, $0xb8;
	[tilespmem:$0xC800] =	vst v63  }
0x32: {  	_ =	swait.ge [sflag:s12], $0x2000  }
0x33: {  	[sflag:s12] =	ssyncset.done $0x0  }
0x34: {  	[sflag:s12] =	ssyncadd.s32 $0xFFFFE000  }
0x35: {  	[tilespmem:s16], [sflag:$0x1] =	stream.indirect.gather [hbm4b:s4+s15], $0x40, s20, s15, $0xb8;
	[tilespmem:$0xC800] =	vst v63  }
0x36: {  	_ =	swait.ge [sflag:s17], $0x2000  }
0x37: {  	[sflag:s17] =	ssyncset.done $0x0  }
0x38: {  	[sflag:s17] =	ssyncadd.s32 $0xFFFFE000  }
0x39: {  	[spmem:s2] =	stream.indirect.scatter.add.f32 [tilespmem:s16], [sflag:$0x2], $0x40, s21, s15, $0xb8;
	[tilespmem:$0xC800] =	vst v63  }
0x3a: {  	_ =	swait.ge [sflag:s12], $0x2000  }
0x3b: {  	[sflag:s12] =	ssyncset.done $0x0  }
0x3c: {  	[sflag:s12] =	ssyncadd.s32 $0xFFFFE000  }
0x3d: {  	[tilespmem:s16], [sflag:$0x1] =	stream.indirect.gather [hbm4b:s4+s15], $0x40, s22, s15, $0xb8;
	[tilespmem:$0xC800] =	vst v63  }
0x3e: {  	_ =	swait.ge [sflag:s17], $0x2000  }
0x3f: {  	[sflag:s17] =	ssyncset.done $0x0  }
0x40: {  	[sflag:s17] =	ssyncadd.s32 $0xFFFFE000  }
0x41: {  	[spmem:s2] =	stream.indirect.scatter.add.f32 [tilespmem:s16], [sflag:$0x2], $0x40, s23, s15, $0xb8;
	[tilespmem:$0xC800] =	vst v63  }
0x42: {  	_ =	swait.ge [sflag:s12], $0x2000  }
0x43: {  	[sflag:s12] =	ssyncset.done $0x0  }
0x44: {  	[sflag:s12] =	ssyncadd.s32 $0xFFFFE000  }
0x45: {  	[tilespmem:s16], [sflag:$0x1] =	stream.indirect.gather [hbm4b:s4+s15], $0x40, s24, s15, $0xb8;
	[tilespmem:$0xC800] =	vst v63  }
0x46: {  	_ =	swait.ge [sflag:s17], $0x2000  }
0x47: {  	[sflag:s17] =	ssyncset.done $0x0  }
0x48: {  	[sflag:s17] =	ssyncadd.s32 $0xFFFFE000  }
0x49: {  	[spmem:s2] =	stream.indirect.scatter.add.f32 [tilespmem:s16], [sflag:$0x2], $0x40, s25, s15, $0xb8;
	[tilespmem:$0xC800] =	vst v63  }
0x4a: {  	_ =	swait.ge [sflag:s12], $0x2000  }
0x4b: {  	[sflag:s12] =	ssyncset.done $0x0  }
0x4c: {  	[sflag:s12] =	ssyncadd.s32 $0xFFFFE000  }
0x4d: {  	[tilespmem:s16], [sflag:$0x1] =	stream.indirect.gather [hbm4b:s4+s15], $0x40, s26, s15, $0xb8;
	[tilespmem:$0xC800] =	vst v63  }
0x4e: {  	_ =	swait.ge [sflag:s17], $0x2000  }
0x4f: {  	[sflag:s17] =	ssyncset.done $0x0  }
0x50: {  	[sflag:s17] =	ssyncadd.s32 $0xFFFFE000  }
0x51: {  	[spmem:s2] =	stream.indirect.scatter.add.f32 [tilespmem:s16], [sflag:$0x2], $0x40, s28, s15, $0xb8;
	[tilespmem:$0xC800] =	vst v63  }
0x52: {  	_ =	swait.ge [sflag:s12], $0x2000  }
0x53: {  	[sflag:s12] =	ssyncset.done $0x0  }
0x54: {  	[sflag:s12] =	ssyncadd.s32 $0xFFFFE000  }
0x55: {  	[tilespmem:s16], [sflag:$0x1] =	stream.indirect.gather [hbm4b:s4+s15], $0x40, s29, s15, $0xb8;
	[tilespmem:$0xC800] =	vst v63  }
0x56: {  	_ =	swait.ge [sflag:s17], $0x2000  }
0x57: {  	[sflag:s17] =	ssyncset.done $0x0  }
0x58: {  	[sflag:s17] =	ssyncadd.s32 $0xFFFFE000  }
0x59: {  	[spmem:s2] =	stream.indirect.scatter.add.f32 [tilespmem:s16], [sflag:$0x2], $0x40, s30, s15, $0xb8;
	[tilespmem:$0xC800] =	vst v63  }
0x5a: {  	_ =	swait.ge [sflag:s12], $0x2000  }
0x5b: {  	[sflag:s12] =	ssyncset.done $0x0  }
0x5c: {  	[sflag:s12] =	ssyncadd.s32 $0xFFFFE000  }
0x5d: {  	[tilespmem:s16], [sflag:$0x1] =	stream.indirect.gather [hbm4b:s4+s15], $0x40, s31, s15, $0xb8;
	[tilespmem:$0xC800] =	vst v63  }
0x5e: {  	_ =	swait.ge [sflag:s17], $0x2000  }
0x5f: {  	[sflag:s17] =	ssyncset.done $0x0  }
0x60: {  	[sflag:s17] =	ssyncadd.s32 $0xFFFFE000  }
0x61: {  	[spmem:s2] =	stream.indirect.scatter.add.f32 [tilespmem:s16], [sflag:$0x2], $0x40, s0, s15, $0xb8;
	[tilespmem:$0xC800] =	vst v63  }
0x62: {  	_ =	swait.ge [sflag:s12], $0x2000  }
0x63: {  	s5 =	simm.s32 $0x80;
	s7 =	simm.s32 $0x100;
	[sflag:s12] =	ssyncset.done $0x0  }
.LBB2_2:
0x64: {  	s6 =	sadd.s32 s5, s9  }
0x65: {  	[sflag:s12] =	ssyncadd.s32 $0xFFFFE000;
	s11 =	smov.u32 s7;
	s8 =	sadd.s32 $0x80, s7  }
0x66: {  	[tilespmem:s13], [sflag:$0x2] =	stream.linear.gather [hbm4b:s6+s3], $0x400, $0x38;
	[tilespmem:$0xC800] =	vst v63  }
0x67: {  	p0 =	sne.s32 s7, $0x980;
	_ =	swait.ge [sflag:s12], $0x400  }
0x68: {  	[sflag:s12] =	ssyncset.done $0x0  }
0x69: {  	s6 =	sadd.s32 s5, s10;
	s5 =	smov.u32 s11;
	[sflag:s12] =	ssyncadd.s32 $0xFFFFFC00  }
0x6a: {  	[tilespmem:s14], [sflag:$0x2] =	stream.linear.gather [hbm4b:s6+s3], $0x400, $0x38;
	[tilespmem:$0xC800] =	vst v63  }
0x6b: {  	_ =	swait.ge [sflag:s12], $0x400  }
0x6c: {  	[sflag:s12] =	ssyncset.done $0x0  }
0x6d: {  	[sflag:s12] =	ssyncadd.s32 $0xFFFFFC00  }
0x6e: {  	[tilespmem:s16], [sflag:$0x1] =	stream.indirect.gather [hbm4b:s4+s15], $0x40, s13, s15, $0xb8;
	[tilespmem:$0xC800] =	vst v63  }
0x6f: {  	_ =	swait.ge [sflag:s17], $0x2000  }
0x70: {  	[sflag:s17] =	ssyncset.done $0x0  }
0x71: {  	[sflag:s17] =	ssyncadd.s32 $0xFFFFE000  }
0x72: {  	[spmem:s2] =	stream.indirect.scatter.add.f32 [tilespmem:s16], [sflag:$0x2], $0x40, s14, s15, $0xb8;
	[tilespmem:$0xC800] =	vst v63  }
0x73: {  	_ =	swait.ge [sflag:s12], $0x2000  }
0x74: {  	[sflag:s12] =	ssyncset.done $0x0  }
0x75: {  	[sflag:s12] =	ssyncadd.s32 $0xFFFFE000  }
0x76: {  	[tilespmem:s16], [sflag:$0x1] =	stream.indirect.gather [hbm4b:s4+s15], $0x40, s18, s15, $0xb8;
	[tilespmem:$0xC800] =	vst v63  }
0x77: {  	_ =	swait.ge [sflag:s17], $0x2000  }
0x78: {  	[sflag:s17] =	ssyncset.done $0x0  }
0x79: {  	[sflag:s17] =	ssyncadd.s32 $0xFFFFE000  }
0x7a: {  	[spmem:s2] =	stream.indirect.scatter.add.f32 [tilespmem:s16], [sflag:$0x2], $0x40, s19, s15, $0xb8;
	[tilespmem:$0xC800] =	vst v63  }
0x7b: {  	_ =	swait.ge [sflag:s12], $0x2000  }
0x7c: {  	[sflag:s12] =	ssyncset.done $0x0  }
0x7d: {  	[sflag:s12] =	ssyncadd.s32 $0xFFFFE000  }
0x7e: {  	[tilespmem:s16], [sflag:$0x1] =	stream.indirect.gather [hbm4b:s4+s15], $0x40, s20, s15, $0xb8;
	[tilespmem:$0xC800] =	vst v63  }
0x7f: {  	_ =	swait.ge [sflag:s17], $0x2000  }
0x80: {  	[sflag:s17] =	ssyncset.done $0x0  }
0x81: {  	[sflag:s17] =	ssyncadd.s32 $0xFFFFE000  }
0x82: {  	[spmem:s2] =	stream.indirect.scatter.add.f32 [tilespmem:s16], [sflag:$0x2], $0x40, s21, s15, $0xb8;
	[tilespmem:$0xC800] =	vst v63  }
0x83: {  	_ =	swait.ge [sflag:s12], $0x2000  }
0x84: {  	[sflag:s12] =	ssyncset.done $0x0  }
0x85: {  	[sflag:s12] =	ssyncadd.s32 $0xFFFFE000  }
0x86: {  	[tilespmem:s16], [sflag:$0x1] =	stream.indirect.gather [hbm4b:s4+s15], $0x40, s22, s15, $0xb8;
	[tilespmem:$0xC800] =	vst v63  }
0x87: {  	_ =	swait.ge [sflag:s17], $0x2000  }
0x88: {  	[sflag:s17] =	ssyncset.done $0x0  }
0x89: {  	[sflag:s17] =	ssyncadd.s32 $0xFFFFE000  }
0x8a: {  	[spmem:s2] =	stream.indirect.scatter.add.f32 [tilespmem:s16], [sflag:$0x2], $0x40, s23, s15, $0xb8;
	[tilespmem:$0xC800] =	vst v63  }
0x8b: {  	_ =	swait.ge [sflag:s12], $0x2000  }
0x8c: {  	[sflag:s12] =	ssyncset.done $0x0  }
0x8d: {  	[sflag:s12] =	ssyncadd.s32 $0xFFFFE000  }
0x8e: {  	[tilespmem:s16], [sflag:$0x1] =	stream.indirect.gather [hbm4b:s4+s15], $0x40, s24, s15, $0xb8;
	[tilespmem:$0xC800] =	vst v63  }
0x8f: {  	_ =	swait.ge [sflag:s17], $0x2000  }
0x90: {  	[sflag:s17] =	ssyncset.done $0x0  }
0x91: {  	[sflag:s17] =	ssyncadd.s32 $0xFFFFE000  }
0x92: {  	[spmem:s2] =	stream.indirect.scatter.add.f32 [tilespmem:s16], [sflag:$0x2], $0x40, s25, s15, $0xb8;
	[tilespmem:$0xC800] =	vst v63  }
0x93: {  	_ =	swait.ge [sflag:s12], $0x2000  }
0x94: {  	[sflag:s12] =	ssyncset.done $0x0  }
0x95: {  	[sflag:s12] =	ssyncadd.s32 $0xFFFFE000  }
0x96: {  	[tilespmem:s16], [sflag:$0x1] =	stream.indirect.gather [hbm4b:s4+s15], $0x40, s26, s15, $0xb8;
	[tilespmem:$0xC800] =	vst v63  }
0x97: {  	_ =	swait.ge [sflag:s17], $0x2000  }
0x98: {  	[sflag:s17] =	ssyncset.done $0x0  }
0x99: {  	[sflag:s17] =	ssyncadd.s32 $0xFFFFE000  }
0x9a: {  	[spmem:s2] =	stream.indirect.scatter.add.f32 [tilespmem:s16], [sflag:$0x2], $0x40, s28, s15, $0xb8;
	[tilespmem:$0xC800] =	vst v63  }
0x9b: {  	_ =	swait.ge [sflag:s12], $0x2000  }
0x9c: {  	[sflag:s12] =	ssyncset.done $0x0  }
0x9d: {  	[sflag:s12] =	ssyncadd.s32 $0xFFFFE000  }
0x9e: {  	[tilespmem:s16], [sflag:$0x1] =	stream.indirect.gather [hbm4b:s4+s15], $0x40, s29, s15, $0xb8;
	[tilespmem:$0xC800] =	vst v63  }
0x9f: {  	_ =	swait.ge [sflag:s17], $0x2000  }
0xa0: {  	[sflag:s17] =	ssyncset.done $0x0  }
0xa1: {  	[sflag:s17] =	ssyncadd.s32 $0xFFFFE000  }
0xa2: {  	[spmem:s2] =	stream.indirect.scatter.add.f32 [tilespmem:s16], [sflag:$0x2], $0x40, s30, s15, $0xb8;
	[tilespmem:$0xC800] =	vst v63  }
0xa3: {  	_ =	swait.ge [sflag:s12], $0x2000  }
0xa4: {  	[sflag:s12] =	ssyncset.done $0x0  }
0xa5: {  	[sflag:s12] =	ssyncadd.s32 $0xFFFFE000  }
0xa6: {  	[tilespmem:s16], [sflag:$0x1] =	stream.indirect.gather [hbm4b:s4+s15], $0x40, s31, s15, $0xb8;
	[tilespmem:$0xC800] =	vst v63  }
0xa7: {  	_ =	swait.ge [sflag:s17], $0x2000  }
.Ltmp0:
0xa8: {  	[sflag:s17] =	ssyncset.done $0x0;
	(pc) =	sbr.rel @p0 .LBB2_2-.Ltmp0, $4  }
0xa9: {  	[sflag:s17] =	ssyncadd.s32 $0xFFFFE000  }
0xaa: {  	[spmem:s2] =	stream.indirect.scatter.add.f32 [tilespmem:s16], [sflag:$0x2], $0x40, s0, s15, $0xb8;
	[tilespmem:$0xC800] =	vst v63  }
0xab: {  	_ =	swait.ge [sflag:s12], $0x2000  }
0xac: {  	s7 =	smov.u32 s8;
	[sflag:s12] =	ssyncset.done $0x0  }
0xad: {  	s6 =	sadd.s32 s5, s9;
	[sflag:s12] =	ssyncadd.s32 $0xFFFFE000  }
0xae: {  	[tilespmem:s13], [sflag:$0x2] =	stream.linear.gather [hbm4b:s6+s3], $0x400, $0x38;
	[tilespmem:$0xC800] =	vst v63  }
0xaf: {  	_ =	swait.ge [sflag:s12], $0x400  }
0xb0: {  	[sflag:s12] =	ssyncset.done $0x0  }
0xb1: {  	s7 =	sadd.s32 s5, s10;
	[sflag:s12] =	ssyncadd.s32 $0xFFFFFC00  }
0xb2: {  	[tilespmem:s14], [sflag:$0x2] =	stream.linear.gather [hbm4b:s7+s3], $0x400, $0x38;
	[tilespmem:$0xC800] =	vst v63  }
0xb3: {  	_ =	swait.ge [sflag:s12], $0x400  }
0xb4: {  	[sflag:s12] =	ssyncset.done $0x0  }
0xb5: {  	[sflag:s12] =	ssyncadd.s32 $0xFFFFFC00  }
0xb6: {  	[tilespmem:s16], [sflag:$0x1] =	stream.indirect.gather [hbm4b:s4+s15], $0x40, s13, s15, $0xb8;
	[tilespmem:$0xC800] =	vst v63  }
0xb7: {  	_ =	swait.ge [sflag:s17], $0x2000  }
0xb8: {  	[sflag:s17] =	ssyncset.done $0x0  }
0xb9: {  	[sflag:s17] =	ssyncadd.s32 $0xFFFFE000  }
0xba: {  	[spmem:s2] =	stream.indirect.scatter.add.f32 [tilespmem:s16], [sflag:$0x2], $0x40, s14, s15, $0xb8;
	[tilespmem:$0xC800] =	vst v63  }
0xbb: {  	_ =	swait.ge [sflag:s12], $0x2000  }
0xbc: {  	[sflag:s12] =	ssyncset.done $0x0  }
0xbd: {  	[sflag:s12] =	ssyncadd.s32 $0xFFFFE000  }
0xbe: {  	[tilespmem:s16], [sflag:$0x1] =	stream.indirect.gather [hbm4b:s4+s15], $0x40, s18, s15, $0xb8;
	[tilespmem:$0xC800] =	vst v63  }
0xbf: {  	_ =	swait.ge [sflag:s17], $0x2000  }
0xc0: {  	[sflag:s17] =	ssyncset.done $0x0  }
0xc1: {  	[sflag:s17] =	ssyncadd.s32 $0xFFFFE000  }
0xc2: {  	[spmem:s2] =	stream.indirect.scatter.add.f32 [tilespmem:s16], [sflag:$0x2], $0x40, s19, s15, $0xb8;
	[tilespmem:$0xC800] =	vst v63  }
0xc3: {  	_ =	swait.ge [sflag:s12], $0x2000  }
0xc4: {  	[sflag:s12] =	ssyncset.done $0x0  }
0xc5: {  	[sflag:s12] =	ssyncadd.s32 $0xFFFFE000  }
0xc6: {  	[tilespmem:s16], [sflag:$0x1] =	stream.indirect.gather [hbm4b:s4+s15], $0x40, s20, s15, $0xb8;
	[tilespmem:$0xC800] =	vst v63  }
0xc7: {  	_ =	swait.ge [sflag:s17], $0x2000  }
0xc8: {  	[sflag:s17] =	ssyncset.done $0x0  }
0xc9: {  	[sflag:s17] =	ssyncadd.s32 $0xFFFFE000  }
0xca: {  	[spmem:s2] =	stream.indirect.scatter.add.f32 [tilespmem:s16], [sflag:$0x2], $0x40, s21, s15, $0xb8;
	[tilespmem:$0xC800] =	vst v63  }
0xcb: {  	_ =	swait.ge [sflag:s12], $0x2000  }
0xcc: {  	[sflag:s12] =	ssyncset.done $0x0  }
0xcd: {  	[sflag:s12] =	ssyncadd.s32 $0xFFFFE000  }
0xce: {  	[tilespmem:s16], [sflag:$0x1] =	stream.indirect.gather [hbm4b:s4+s15], $0x40, s22, s15, $0xb8;
	[tilespmem:$0xC800] =	vst v63  }
0xcf: {  	_ =	swait.ge [sflag:s17], $0x2000  }
0xd0: {  	[sflag:s17] =	ssyncset.done $0x0  }
0xd1: {  	[sflag:s17] =	ssyncadd.s32 $0xFFFFE000  }
0xd2: {  	[spmem:s2] =	stream.indirect.scatter.add.f32 [tilespmem:s16], [sflag:$0x2], $0x40, s23, s15, $0xb8;
	[tilespmem:$0xC800] =	vst v63  }
0xd3: {  	_ =	swait.ge [sflag:s12], $0x2000  }
0xd4: {  	[sflag:s12] =	ssyncset.done $0x0  }
0xd5: {  	[sflag:s12] =	ssyncadd.s32 $0xFFFFE000  }
0xd6: {  	[tilespmem:s16], [sflag:$0x1] =	stream.indirect.gather [hbm4b:s4+s15], $0x40, s24, s15, $0xb8;
	[tilespmem:$0xC800] =	vst v63  }
0xd7: {  	_ =	swait.ge [sflag:s17], $0x2000  }
0xd8: {  	[sflag:s17] =	ssyncset.done $0x0  }
0xd9: {  	[sflag:s17] =	ssyncadd.s32 $0xFFFFE000  }
0xda: {  	[spmem:s2] =	stream.indirect.scatter.add.f32 [tilespmem:s16], [sflag:$0x2], $0x40, s25, s15, $0xb8;
	[tilespmem:$0xC800] =	vst v63  }
0xdb: {  	_ =	swait.ge [sflag:s12], $0x2000  }
0xdc: {  	[sflag:s12] =	ssyncset.done $0x0  }
0xdd: {  	[sflag:s12] =	ssyncadd.s32 $0xFFFFE000  }
0xde: {  	[tilespmem:s16], [sflag:$0x1] =	stream.indirect.gather [hbm4b:s4+s15], $0x40, s26, s15, $0xb8;
	[tilespmem:$0xC800] =	vst v63  }
0xdf: {  	_ =	swait.ge [sflag:s17], $0x2000  }
0xe0: {  	[sflag:s17] =	ssyncset.done $0x0  }
0xe1: {  	[sflag:s17] =	ssyncadd.s32 $0xFFFFE000  }
0xe2: {  	[spmem:s2] =	stream.indirect.scatter.add.f32 [tilespmem:s16], [sflag:$0x2], $0x40, s28, s15, $0xb8;
	[tilespmem:$0xC800] =	vst v63  }
0xe3: {  	_ =	swait.ge [sflag:s12], $0x2000  }
0xe4: {  	[sflag:s12] =	ssyncset.done $0x0  }
0xe5: {  	[sflag:s12] =	ssyncadd.s32 $0xFFFFE000  }
0xe6: {  	[tilespmem:s16], [sflag:$0x1] =	stream.indirect.gather [hbm4b:s4+s15], $0x40, s29, s15, $0xb8;
	[tilespmem:$0xC800] =	vst v63  }
0xe7: {  	_ =	swait.ge [sflag:s17], $0x2000  }
0xe8: {  	[sflag:s17] =	ssyncset.done $0x0  }
0xe9: {  	[sflag:s17] =	ssyncadd.s32 $0xFFFFE000  }
0xea: {  	[spmem:s2] =	stream.indirect.scatter.add.f32 [tilespmem:s16], [sflag:$0x2], $0x40, s30, s15, $0xb8;
	[tilespmem:$0xC800] =	vst v63  }
0xeb: {  	_ =	swait.ge [sflag:s12], $0x2000  }
0xec: {  	[sflag:s12] =	ssyncset.done $0x0  }
0xed: {  	[sflag:s12] =	ssyncadd.s32 $0xFFFFE000  }
0xee: {  	[tilespmem:s16], [sflag:$0x1] =	stream.indirect.gather [hbm4b:s4+s15], $0x40, s31, s15, $0xb8;
	[tilespmem:$0xC800] =	vst v63  }
0xef: {  	_ =	swait.ge [sflag:s17], $0x2000  }
0xf0: {  	[sflag:s17] =	ssyncset.done $0x0  }
0xf1: {  	[sflag:s17] =	ssyncadd.s32 $0xFFFFE000  }
0xf2: {  	[spmem:s2] =	stream.indirect.scatter.add.f32 [tilespmem:s16], [sflag:$0x2], $0x40, s0, s15, $0xb8;
	[tilespmem:$0xC800] =	vst v63  }
0xf3: {  	_ =	swait.ge [sflag:s12], $0x2000  }
0xf4: {  	[sflag:s12] =	ssyncset.done $0x0  }
0xf5: {  	[sflag:s12] =	ssyncadd.s32 $0xFFFFE000  }
0xf6: {  	[bflag:$0x0] =	sbarrier.arrive $0xFFFF  }
0xf7: {  	s6 =	rddreg [dreg:$0x5]  }
0xf8: {  	s8 =	rddreg [dreg:$0x6]  }
0xf9: {  	s7 =	rddreg [dreg:$0x8]  }
0xfa: {  	[hbm:s8], [sflag:s6] =	dma.local [spmem:s7], $0x1400  }
0xfb: {  	_ =	swait.ge [sflag:s12], $0x1400  }
0xfc: {  	s1 =	sadd.s32 $0x1, s1;
	s11 =	rddreg [dreg:$0x7]  }
0xfd: {  	p0 =	sne.s32 s1, s11  }
.Ltmp1:
0xfe: {  	_ = 	snop;
	(pc) =	sbr.rel @p0 .LBB2_1-.Ltmp1, $3  }
0xff: {  	_ =	sdelay $0x1  }
0x100: {  	[sflag:s12] =	ssyncset.done $0x0  }
0x101: {  	[sflag:s12] =	ssyncadd.s32 $0xFFFFEC00  }
0x102: {  	_ =	sfence.sel $0x180000  }
0x103: {  	[bflag:$0x0] =	sbarrier.arrive $0xFFFF  }
0x104: {  	_ =	strace $0x9000004D  }
0x105: {  	s0 =	stileid.u32;
	[bflag:$0x2] =	sbarrier.arrive $0xFFFF  }
0x106: {  	p0 =	sne.s32 s0, $0x0;
	s0 =	rddreg [dreg:$0x3]  }
0x107: {  	s0 =	sadd.s32 @!p0 $0x100000, s0  }
0x108: {  	[sflag:s0] =	ssyncadd.tile.s32 @!p0 $0x1;
	_ =	shalt  }
.Lfunc_end2:
_tile_overlayer_lowered:
.L_overlay_start_2:
0x109: {  	(tag) =	ssettag $0x2  }
0x10a: {  	s0 =	rddreg [dreg:$0x0];
	s2 =	stileid.u32  }
0x10b: {  	s1 =	rddreg [dreg:$0x1];
	p0 =	sne.s32 s2, $0x0  }
0x10c: {  	s3 =	rddreg [dreg:$0x2];
	[bflag:$0x3] =	sbarrier.arrive $0xFFFF;
	s2 =	simm.s32 @!p0 $0x1C02  }
0x10d: {  	[timem:s3], [sflag:s2] =	dma.local @!p0 [hbm:s0], s1  }
0x10e: {  	s0 =	simm.s32 @!p0 $0x2  }
0x10f: {  	_ =	swait.ge @!p0 [sflag:s0], s1  }
0x110: {  	s1 =	ssub.s32 @!p0 $0x0, s1;
	[sflag:s0] =	ssyncset.done @!p0 $0x0  }
0x111: {  	[sflag:s0] =	ssyncadd.s32 @!p0 s1  }
0x112: {  	[bflag:$0x3] =	sbarrier.arrive $0xFFFF  }
0x113: {  	_ =	shalt  }

// kernel: kernel.8.cloned.1.call-start
scs
__scs_entry_jumppad:
0x0: {  	(pc) =	sbr.rel $0x88, $3  }
0x1: {  	(tag) =	ssettag $0x0;
	lr =	simm.s32 $0x1  }
0x2: {  	[smem:$0x3F9B] =	sst lr;
	_ =	strace $0xD0000000  }
0x3: {  	_ = 	snop  }
0x4: {  	_ = 	snop  }
0x5: {  	_ = 	snop  }
0x6: {  	_ = 	snop  }
0x7: {  	_ = 	snop  }
__scs_overlays_trampoline_lowered:
0x8: {  	[smem:$0x3FAA] =	sst s0  }
0x9: {  	[smem:$0x3FAB] =	sst s1  }
0xa: {  	[smem:$0x3FAC] =	sst s2  }
0xb: {  	[smem:$0x3FAD] =	sst s3  }
0xc: {  	[smem:$0x3FAE] =	sst s4  }
0xd: {  	[smem:$0x3FAF] =	sst s5  }
0xe: {  	[smem:$0x3FB0] =	sst s6  }
0xf: {  	[smem:$0x3FB1] =	sst s7  }
0x10: {  	[smem:$0x3FB2] =	sst s8  }
0x11: {  	[smem:$0x3FB3] =	sst s9;
	s0 =	simm.s32 @!p0 $0x0  }
0x12: {  	s1 =	sld [smem:$0x3F99];
	s0 =	simm.s32 @p0 $0x1  }
0x13: {  	[smem:$0x3FB4] =	sst s0;
	s0 =	simm.s32 @!p1 $0x0  }
0x14: {  	s2 =	sld [smem:$0x3F98];
	s0 =	simm.s32 @p1 $0x1  }
0x15: {  	[smem:$0x3FB5] =	sst s0;
	s0 =	simm.s32 @!p2 $0x0  }
0x16: {  	s3 =	sld [smem:$0x3FDB];
	s0 =	simm.s32 @p2 $0x1  }
0x17: {  	s4 =	simm.s32 $0x1BF5;
	[smem:$0x3FB7] =	sst s0  }
0x18: {  	s0 =	sld [smem:$0x3F9A];
	_ =	swait.ge [sflag:s4], $0x0  }
0x19: {  	s7 =	sld [smem:$0x3F9B]  }
0x1a: {  	s8 =	sadd.s32 $0xFFFFE003, lr  }
0x1b: {  	s9 =	sadd.s32 $0xFFFFFEF7, lr;
	s5 =	simm.s32 $0xFFFFFFFF;
	p2 =	slt.u32 s8, $0xFFFFF086  }
0x1c: {  	p1 =	slt.u32 s9, $0xF7A;
	s5 =	simm.s32 @!p2 $0x0  }
0x1d: {  	s5 =	simm.s32 @p1 $0x1;
	p0 =	seq.s32 s7, s2  }
0x1e: {  	s7 =	smul.u32 @!p0 $0xF7A, s2;
	p2 =	seq.s32 @!p0 s5, $0x0  }
0x1f: {  	s9 =	smul.u32 $0xF7A, s1;
	s8 =	simm.s32 @!p0 $0x1BF5;
	p2 =	por !p2, p0  }
0x20: {  	[sflag:s8] =	ssyncset.s32 @!p0 $0xFFFFF086;
	s6 =	sadd.s32 @!p0 s3, s7;
	s7 =	simm.s32 @!p0 $0x108  }
0x21: {  	s3 =	sadd.s32 s3, s9;
	s6 =	sadd.s32 @!p0 $0x88, s6;
	s7 =	simm.s32 @p2 $0x1082  }
0x22: {  	[simem:s7], [sflag:s8] =	dma.local @!p0 [hbm:s6], $0xF7A  }
0x23: {  	s9 =	sor.u32 $0xD0000000, s2;
	s6 =	simm.s32 $0x108;
	_ =	swait.ge @!p0 [sflag:s8], $0x0  }
0x24: {  	s3 =	sadd.s32 $0x88, s3;
	s6 =	simm.s32 @!p1 $0x1082;
	[sflag:s4] =	ssyncset.s32 $0xFFFFF086  }
0x25: {  	[simem:s6], [sflag:s4] =	dma.local [hbm:s3], $0xF7A  }
0x26: {  	[smem:$0x3F9B] =	sst s1;
	(tag) =	ssettag s2;
	_ =	strace s9  }
0x27: {  	s1 =	sld [smem:$0x3FAB]  }
0x28: {  	s2 =	sld [smem:$0x3FAC]  }
0x29: {  	s4 =	sld [smem:$0x3FAE]  }
0x2a: {  	p0 =	seq.s32 s5, $0x0;
	s5 =	sld [smem:$0x3FAF]  }
0x2b: {  	s6 =	sld [smem:$0x3FB0]  }
0x2c: {  	s7 =	sld [smem:$0x3FB1]  }
0x2d: {  	s3 =	simm.s32 $0x108;
	s8 =	sld [smem:$0x3FB2]  }
0x2e: {  	s3 =	simm.s32 @!p0 $0x1082;
	s9 =	sld [smem:$0x3FB3]  }
0x2f: {  	lr =	sadd.s32 s0, s3;
	s0 =	sld [smem:$0x3FAA]  }
0x30: {  	s3 =	sld [smem:$0x3FAD]  }
0x31: {  	[smem:$0x3FB6] =	sst s10  }
0x32: {  	s10 =	sld [smem:$0x3FB4];
	_ =	sdelay $0x3  }
0x33: {  	p0 =	seq.s32 s10, $0x1;
	s10 =	sld [smem:$0x3FB6];
	_ =	sdelay $0x3  }
0x34: {  	[smem:$0x3FB6] =	sst s10  }
0x35: {  	s10 =	sld [smem:$0x3FB5];
	_ =	sdelay $0x3  }
0x36: {  	p1 =	seq.s32 s10, $0x1;
	s10 =	sld [smem:$0x3FB6];
	_ =	sdelay $0x3  }
0x37: {  	[smem:$0x3FB6] =	sst s10  }
0x38: {  	s10 =	sld [smem:$0x3FB7]  }
0x39: {  	_ = 	snop;
	(pc) =	sbr.ind lr, $3  }
0x3a: {  	_ = 	snop  }
0x3b: {  	_ = 	snop  }
0x3c: {  	p2 =	seq.s32 s10, $0x1;
	s10 =	sld [smem:$0x3FB6]  }
0x3d: {  	_ =	shalt  }
0x3e: {  	_ =	shalt  }
0x3f: {  	_ =	shalt  }
0x40: {  	_ =	shalt  }
0x41: {  	_ =	shalt  }
0x42: {  	_ =	shalt  }
0x43: {  	_ =	shalt  }
0x44: {  	_ =	shalt  }
0x45: {  	_ =	shalt  }
0x46: {  	_ =	shalt  }
0x47: {  	_ =	shalt  }
0x48: {  	_ =	shalt  }
0x49: {  	_ =	shalt  }
0x4a: {  	_ =	shalt  }
0x4b: {  	_ =	shalt  }
0x4c: {  	_ =	shalt  }
0x4d: {  	_ =	shalt  }
0x4e: {  	_ =	shalt  }
0x4f: {  	_ =	shalt  }
0x50: {  	_ =	shalt  }
0x51: {  	_ =	shalt  }
0x52: {  	_ =	shalt  }
0x53: {  	_ =	shalt  }
0x54: {  	_ =	shalt  }
0x55: {  	_ =	shalt  }
0x56: {  	_ =	shalt  }
0x57: {  	_ =	shalt  }
0x58: {  	_ =	shalt  }
0x59: {  	_ =	shalt  }
0x5a: {  	_ =	shalt  }
0x5b: {  	_ =	shalt  }
0x5c: {  	_ =	shalt  }
0x5d: {  	_ =	shalt  }
0x5e: {  	_ =	shalt  }
0x5f: {  	_ =	shalt  }
0x60: {  	_ =	shalt  }
0x61: {  	_ =	shalt  }
0x62: {  	_ =	shalt  }
0x63: {  	_ =	shalt  }
0x64: {  	_ =	shalt  }
0x65: {  	_ =	shalt  }
0x66: {  	_ =	shalt  }
0x67: {  	_ =	shalt  }
0x68: {  	_ =	shalt  }
0x69: {  	_ =	shalt  }
0x6a: {  	_ =	shalt  }
0x6b: {  	_ =	shalt  }
0x6c: {  	_ =	shalt  }
0x6d: {  	_ =	shalt  }
0x6e: {  	_ =	shalt  }
0x6f: {  	_ =	shalt  }
0x70: {  	_ =	shalt  }
0x71: {  	_ =	shalt  }
0x72: {  	_ =	shalt  }
0x73: {  	_ =	shalt  }
0x74: {  	_ =	shalt  }
0x75: {  	_ =	shalt  }
0x76: {  	_ =	shalt  }
0x77: {  	_ =	shalt  }
0x78: {  	_ =	shalt  }
0x79: {  	_ =	shalt  }
0x7a: {  	_ =	shalt  }
0x7b: {  	_ =	shalt  }
0x7c: {  	_ =	shalt  }
0x7d: {  	_ =	shalt  }
0x7e: {  	_ =	shalt  }
0x7f: {  	_ =	shalt  }
0x80: {  	_ =	shalt  }
0x81: {  	_ =	shalt  }
0x82: {  	_ =	shalt  }
0x83: {  	_ =	shalt  }
0x84: {  	_ =	shalt  }
0x85: {  	_ =	shalt  }
0x86: {  	_ =	shalt  }
0x87: {  	_ =	shalt  }
.Lfunc_end0:
.L_simem_size_0:
called_computation_lowered:
.L_overlay_start_0:
0x88: {  	s2 =	sld [smem:$0x3FD9]  }
0x89: {  	s3 =	sld [smem:$0x3FFE];
	_ =	sdelay $0x1  }
0x8a: {  	s1 =	srdreg.scid  }
0x8b: {  	s0 =	sand.u32 $0x1, s1  }
0x8c: {  	s16 =	sshll.u32 s0, $0xA;
	s2 =	sadd.s32 s3, s2  }
0x8d: {  	s2 =	sadd.s32 s2, s16  }
0x8e: {  	[smem:$0x3FC2] =	sst s2  }
0x8f: {  	_ = 	snop  }
0x90: {  	(tm) =	ssettm $0x1  }
0x91: {  	s17 =	sld [smem:$0x3FFB];
	_ =	sdelay $0x3  }
0x92: {  	_ =	strace s17  }
0x93: {  	s2 =	sld [smem:$0x3FFC];
	_ =	sdelay $0x3  }
0x94: {  	_ =	strace s2  }
0x95: {  	s2 =	sld [smem:$0x3FFD];
	_ =	sdelay $0x3  }
0x96: {  	_ =	strace s2  }
0x97: {  	_ =	strace $0x8FFFFFFF  }
0x98: {  	s18 =	sld [smem:$0x3FDB];
	_ =	sdelay $0x1  }
0x99: {  	s19 =	simm.s32 $_scs_section_size  }
0x9a: {  	s4 =	simm.s32 $_size__tile_overlayer_lowered;
	s5 =	simm.s32 $_tile_overlayer_lowered  }
0x9b: {  	s22 =	simm.s32 $0x1BFF;
	s21 =	sshll.u32 s5, $0x1;
	s2 =	sadd.s32 s19, s18  }
0x9c: {  	s6 =	simm.s32 $0x0;
	s20 =	sshll.u32 s4, $0x1;
	s4 =	sadd.s32 s21, s2  }
0x9d: {  	[timem:s6], [sflag:s22] =	dma.local [hbm:s4], s20  }
0x9e: {  	_ =	swait.ge [sflag:s22], s20  }
0x9f: {  	s3 =	ssub.s32 $0x0, s20;
	[sflag:s22] =	ssyncset.done $0x0  }
0xa0: {  	[sflag:s22] =	ssyncadd.s32 s3;
	_ =	sdelay $0x1  }
0xa1: {  	s23 =	simm.s32 $0x1B8B  }
0xa2: {  	_ =	swait.ge [sflag:s23], $0x1  }
0xa3: {  	[sflag:s23] =	ssyncset.done $0x0  }
0xa4: {  	s25 =	simm.s32 $0x1B8E;
	s24 =	sld [smem:$0x3FFE];
	[sflag:s23] =	ssyncadd.s32 $0xFFFFFFFF  }
0xa5: {  	s26 =	simm.s32 $execute0_lowered;
	[smem:$0x3FD2] =	sst s25  }
0xa6: {  	s4 =	sshll.u32 s26, $0x1;
	_ =	strace $0x80000046;
	[dreg:$0x1] =	wrdreg $0xFFFFFFFF  }
0xa7: {  	s28 =	simm.s32 $_size_execute0_lowered;
	s2 =	sadd.s32 s2, s4;
	[dreg:$0x0] =	wrdreg $0x0  }
0xa8: {  	s4 =	sshll.u32 s28, $0x1;
	[dreg:$0x2] =	wrdreg s2  }
0xa9: {  	[dreg:$0x3] =	wrdreg s4  }
0xaa: {  	[dreg:$0x4] =	wrdreg $0xC0  }
0xab: {  	_ =	task [dreg:s6], $0x5FFFF  }
0xac: {  	[dreg:$0x1] =	wrdreg $0xFFFFFFFF  }
0xad: {  	[dreg:$0x0] =	wrdreg $0x60  }
0xae: {  	[dreg:$0x2] =	wrdreg s24  }
0xaf: {  	[dreg:$0x3] =	wrdreg $0x9  }
0xb0: {  	_ =	task.clear_ibuf [dreg:s6], $0x4FFFF;
	_ =	strace $0x90000046  }
0xb1: {  	s29 =	simm.s32 $0x9;
	_ =	strace $0x80000048  }
0xb2: {  	_ =	swait.ge [sflag:s29], $0x1  }
0xb3: {  	[sflag:s29] =	ssyncadd.s32 $0xFFFFFFFF  }
0xb4: {  	_ =	strace $0x90000048  }
0xb5: {  	_ =	sfence  }
0xb6: {  	s30 =	sld [smem:$0x0];
	_ =	sdelay $0x2  }
0xb7: {  	s31 =	sshll.u32 s1, $0xD;
	s1 =	sshrl.u32 s1, $0x2  }
0xb8: {  	s3 =	sand.u32 $0x4000, s31;
	s1 =	sadd.s32 s1, s30  }
0xb9: {  	s0 =	sor.u32 s3, s0;
	s1 =	sshll.u32 s1, $0x11  }
0xba: {  	s0 =	sor.u32 s1, s0  }
0xbb: {  	s0 =	sadd.s32 $0x8F2B, s0  }
0xbc: {  	[sflag:s0] =	ssyncadd.remote.s32 $0x1  }
0xbd: {  	_ =	sfence.sel $0xFFFF  }
0xbe: {  	[dreg:$0x0] =	wrdreg $0xFFFFFFFF;
	(pc) =	sbr.abs _section_cstart, $3  }
0xbf: {  	[dreg:$0x1] =	wrdreg $0xFFFFFFFF  }
0xc0: {  	_ =	task.clear_ibuf [dreg:s6], $0x2FFFF;
	_ =	strace $0x9FFFFFFF  }
0xc1: {  	(tm) =	ssettm $0x7FFFFFFF  }
tec
execute0_lowered:
.L_overlay_start_1:
0x0: {  	(tag) =	ssettag $0x1  }
0x1: {  	s0 =	srdreg.scid  }
0x2: {  	s5 =	rddreg [dreg:$0x0];
	s3 =	sand.u32 $0x1, s0  }
0x3: {  	s2 =	simm.s32 $0x0;
	s0 =	stileid.u32;
	s1 =	sshll.u32 s3, $0x4  }
0x4: {  	s8 =	simm.s32 $0x80;
	s9 =	simm.s32 $0x400;
	s4 =	sor.u32 s0, s1  }
0x5: {  	s10 =	simm.s32 $0x0;
	[smem:$0x7FF] =	sst s2;
	s1 =	sshrl.u32 s4, $0x3  }
0x6: {  	s7 =	sshll.u32 s0, $0x7;
	s3 =	ssub.s32 $0x2, s3;
	s6 =	smul.u32 $0x14000, s1  }
0x7: {  	s7 =	sand.u32 $0x380, s7;
	s31 =	sshrl.u32 s3, $0x1;
	s4 =	smul.u32 $0x500, s4  }
0x8: {  	s1 =	rddreg [dreg:$0x1];
	_ =	strace $0x80000047;
	s6 =	sor.u32 s7, s6  }
0x9: {  	s4 =	sadd.s32 s4, s5;
	s7 =	simm.s32 $0x2800;
	s6 =	sshrl.u32 s6, $0x3  }
0xa: {  	s5 =	sadd.s32 s6, s5;
	s6 =	ssub.s32 s3, s31;
	s3 =	sadd.s32 $0x1A00, s4  }
0xb: {  	v0 =	vimm.f32 $0.0e+00;
	v1 =	vimm.f32 $1.000000000e+00;
	s4 =	sadd.s32 $0xBA00, s5;
	s5 =	smax.u32 s6, $0x1;
	s6 =	simm.s32 $0x1  }
.LBB2_1:
0xc: {  	[tilespmem:s2], [sflag:$0x1] =	stream.linear.gather [hbm4b:s3+s2], $0x2800, $0x38;
	[tilespmem:$0x5000] =	vst v63  }
0xd: {  	_ =	swait.ge [sflag:s6], $0x2800  }
0xe: {  	[sflag:s6] =	ssyncset.done $0x0  }
0xf: {  	s11 =	simm.s32 $0x0;
	[sflag:s6] =	ssyncadd.s32 $0xFFFFD800  }
.LBB2_2:
0x10: {  	p0 =	sne.s32 s11, $0x9FC0  }
.Ltmp0:
0x11: {  	_ = 	snop;
	(pc) =	sbr.rel @p0 .LBB2_2-.Ltmp0, $3  }
0x12: {  	_ =	sdelay $0x1  }
0x13: {  	s12 =	sshra.s32 s11, $0x2  }
0x14: {  	s11 =	sadd.s32 $0x40, s11;
	[tilespmem:s12+$0x2800] =	vst v0  }
0x15: {  	s11 =	simm.s32 $0x0  }
.LBB2_4:
0x16: {  	s12 =	sshra.s32 s11, $0x2  }
0x17: {  	v2 =	vld [tilespmem:s12+$0x0];
	_ =	sdelay $0x7  }
0x18: {  	[tilespmem:v2+s7+$0x0] =	vst.idx.add.f32.msk $0xffff, v1  }
0x19: {  	v2 =	vld [tilespmem:s12+$0x10];
	_ =	sdelay $0x7  }
0x1a: {  	[tilespmem:v2+s7+$0x0] =	vst.idx.add.f32.msk $0xffff, v1  }
0x1b: {  	v2 =	vld [tilespmem:s12+$0x20];
	_ =	sdelay $0x7  }
0x1c: {  	[tilespmem:v2+s7+$0x0] =	vst.idx.add.f32.msk $0xffff, v1  }
0x1d: {  	v2 =	vld [tilespmem:s12+$0x30];
	_ =	sdelay $0x7  }
0x1e: {  	[tilespmem:v2+s7+$0x0] =	vst.idx.add.f32.msk $0xffff, v1  }
0x1f: {  	v2 =	vld [tilespmem:s12+$0x40];
	_ =	sdelay $0x7  }
0x20: {  	[tilespmem:v2+s7+$0x0] =	vst.idx.add.f32.msk $0xffff, v1  }
0x21: {  	v2 =	vld [tilespmem:s12+$0x50];
	_ =	sdelay $0x7  }
0x22: {  	[tilespmem:v2+s7+$0x0] =	vst.idx.add.f32.msk $0xffff, v1  }
0x23: {  	v2 =	vld [tilespmem:s12+$0x60];
	_ =	sdelay $0x7  }
0x24: {  	[tilespmem:v2+s7+$0x0] =	vst.idx.add.f32.msk $0xffff, v1  }
0x25: {  	v2 =	vld [tilespmem:s12+$0x70];
	_ =	sdelay $0x2  }
0x26: {  	p0 =	sne.s32 s11, $0x9E00  }
.Ltmp1:
0x27: {  	_ = 	snop;
	(pc) =	sbr.rel @p0 .LBB2_4-.Ltmp1, $2  }
0x28: {  	_ =	sdelay $0x2  }
0x29: {  	s11 =	sadd.s32 $0x200, s11;
	[tilespmem:v2+s7+$0x0] =	vst.idx.add.f32.msk $0xffff, v1  }
0x2a: {  	s10 =	sadd.s32 $0x1, s10  }
0x2b: {  	p0 =	sne.s32 s10, s5  }
.Ltmp2:
0x2c: {  	_ = 	snop;
	(pc) =	sbr.rel @p0 .LBB2_1-.Ltmp2, $4  }
0x2d: {  	[hbm4b:s4+s8] =	stream.strided.scatter [tilespmem:s7], [sflag:$0x1], $0x2800, s9, s8, $0x38;
	[tilespmem:$0x5000] =	vst v63  }
0x2e: {  	_ =	swait.ge [sflag:s6], $0x2800  }
0x2f: {  	[sflag:s6] =	ssyncset.done $0x0  }
0x30: {  	[sflag:s6] =	ssyncadd.s32 $0xFFFFD800  }
0x31: {  	_ =	sfence.sel $0x180000  }
0x32: {  	[bflag:$0x0] =	sbarrier.arrive $0xFFFF  }
0x33: {  	p0 =	sne.s32 s0, $0x0;
	_ =	strace $0x90000047  }
0x34: {  	s0 =	sadd.s32 @!p0 $0x100000, s1;
	[bflag:$0x2] =	sbarrier.arrive $0xFFFF  }
0x35: {  	[sflag:s0] =	ssyncadd.tile.s32 @!p0 $0x1;
	_ =	shalt  }
.Lfunc_end2:
_tile_overlayer_lowered:
.L_overlay_start_2:
0x36: {  	(tag) =	ssettag $0x2  }
0x37: {  	s0 =	rddreg [dreg:$0x0];
	s2 =	stileid.u32  }
0x38: {  	s1 =	rddreg [dreg:$0x1];
	p0 =	sne.s32 s2, $0x0  }
0x39: {  	s3 =	rddreg [dreg:$0x2];
	[bflag:$0x3] =	sbarrier.arrive $0xFFFF;
	s2 =	simm.s32 @!p0 $0x1C01  }
0x3a: {  	[timem:s3], [sflag:s2] =	dma.local @!p0 [hbm:s0], s1  }
0x3b: {  	s0 =	simm.s32 @!p0 $0x1  }
0x3c: {  	_ =	swait.ge @!p0 [sflag:s0], s1  }
0x3d: {  	s1 =	ssub.s32 @!p0 $0x0, s1;
	[sflag:s0] =	ssyncset.done @!p0 $0x0  }
0x3e: {  	[sflag:s0] =	ssyncadd.s32 @!p0 s1  }
0x3f: {  	[bflag:$0x3] =	sbarrier.arrive $0xFFFF  }
0x40: {  	_ =	shalt  }

</sc_bundles>
